<compile_context>
chip_gen: v7x
topology: tpu7x:2x2x1
jax: 0.10.2.dev20260603
libtpu: 0.0.44.dev20260713+nightly
codegen_flags: <defaults>
</compile_context>

<pallas_src>
import functools

import jax
from jax import lax
import jax.numpy as jnp
from jax.experimental import pallas as pl
from jax.experimental.pallas import tpu as pltpu
from jax.experimental.pallas import tpu_sc as plsc

N = 100000
D = 128
H = 64
S = 1024
C = 20480
NSTEPS = (N + C - 1) // C
NPAD = NSTEPS * C

NTILES = 32
CHUNK = NPAD // NTILES
VPERT = CHUNK // 16


def _mlp_kernel(h_ref, w0_ref, b0_ref, w1_ref, b1_ref, sc_ref, out_ref):
  pid = pl.program_id(0)
  h1 = jnp.dot(h_ref[...], w0_ref[...], preferred_element_type=jnp.float32)
  h1 = h1 + b0_ref[...]
  scale = sc_ref[0, 0]
  w1s = w1_ref[...] * scale
  s = jax.lax.dot_general(w1s, h1, (((1,), (1,)), ((), ())),
                          preferred_element_type=jnp.float32)
  s = s + b1_ref[0, 0] * scale
  pos = pid * C + jax.lax.broadcasted_iota(jnp.int32, (1, C), 1)
  out_ref[...] = jnp.where(pos < N, s, 0.0).reshape(1, 1, C)


def _take16(x, idx):
  return lax.gather(
      x, idx[:, None],
      lax.GatherDimensionNumbers(offset_dims=(), collapsed_slice_dims=(0,),
                                 start_index_map=(0,)),
      slice_sizes=(1,),
      mode=lax.GatherScatterMode.PROMISE_IN_BOUNDS)


def _sc_segsum(vals_hbm, ids_hbm, shift_hbm, out_hbm,
               vals_v, ids_v, acc_v, red_v, out_v, shift_v, shared):
  cid = lax.axis_index("c")
  sid = lax.axis_index("s")
  wid = cid * 16 + sid
  base = wid * CHUNK
  pltpu.sync_copy(vals_hbm.at[pl.ds(base, CHUNK)], vals_v)
  pltpu.sync_copy(ids_hbm.at[pl.ds(base, CHUNK)], ids_v.at[pl.ds(16, CHUNK)])

  zeros16 = jnp.zeros((16,), jnp.float32)
  iota16 = lax.iota(jnp.int32, 16)

  ids_v[pl.ds(0, 16)] = _take16(ids_v[pl.ds(16, 16)], iota16 * 0)

  def _zero_acc(j, carry):
    for l in range(8):
      acc_v[j, pl.ds(l * 16, 16)] = zeros16
    return carry

  lax.fori_loop(0, 8, _zero_acc, 0)

  def _one(off):
    v = vals_v[pl.ds(off, 16)]
    idv = ids_v[pl.ds(16 + off, 16)]
    prev_id = ids_v[pl.ds(15 + off, 16)]
    next_id = ids_v[pl.ds(17 + off, 16)]
    csum = plsc.cumsum(v)
    excl = csum - v
    is_end = jnp.logical_or(idv != next_id, iota16 == 15)
    is_start = idv != prev_id
    hi = jax.lax.shift_right_logical(idv, 7)
    lo = jnp.bitwise_and(idv, 127)
    plsc.addupdate_scatter(acc_v, [hi, lo], csum, mask=is_end)
    plsc.addupdate_scatter(acc_v, [hi, lo], -excl, mask=is_start)

  def _body(k, carry):
    off = k * 32
    _one(off)
    _one(off + 16)
    return carry

  lax.fori_loop(0, VPERT // 2, _body, 0)

  pltpu.sync_copy(acc_v, shared.at[sid])
  plsc.subcore_barrier()

  @pl.when(sid == 0)
  def _writeback():
    pltpu.sync_copy(shared, red_v)
    pltpu.sync_copy(shift_hbm, shift_v)
    shift_term = shift_v[...] * jnp.where(cid == 0, 1.0, 0.0)

    def _red(j, carry):
      for l in range(8):
        s = red_v[0, j, pl.ds(l * 16, 16)]
        for t in range(1, 16):
          s = s + red_v[t, j, pl.ds(l * 16, 16)]
        out_v[j, pl.ds(l * 16, 16)] = s + shift_term
      return carry

    lax.fori_loop(0, 8, _red, 0)
    pltpu.sync_copy(out_v, out_hbm.at[cid])


_sc_segsum_call = pl.kernel(
    _sc_segsum,
    out_type=jax.ShapeDtypeStruct((2, 8, 128), jnp.float32),
    mesh=plsc.VectorSubcoreMesh(core_axis_name="c", subcore_axis_name="s",
                                num_cores=2, num_subcores=16),
    compiler_params=pltpu.CompilerParams(needs_layout_passes=False),
    scratch_types=[
        pltpu.VMEM((CHUNK,), jnp.float32),
        pltpu.VMEM((CHUNK + 32,), jnp.int32),
        pltpu.VMEM((8, 128), jnp.float32),
        pltpu.VMEM((16, 8, 128), jnp.float32),
        pltpu.VMEM((8, 128), jnp.float32),
        pltpu.VMEM((16,), jnp.float32),
        pltpu.VMEM_SHARED((16, 8, 128), jnp.float32),
    ],
)


@jax.jit
def kernel(h, batch, W0, b0, W1, b1, energy_scaling_coeff,
           energy_shifting_coeff):
  b0r = b0.reshape(1, H)
  w1r = W1.reshape(1, H)
  b1r = b1.reshape(1, 1)
  scr = energy_scaling_coeff.reshape(1, 1)

  scal = pl.pallas_call(
      _mlp_kernel,
      grid=(NSTEPS,),
      in_specs=[
          pl.BlockSpec((C, D), lambda i: (i, 0)),
          pl.BlockSpec((D, H), lambda i: (0, 0)),
          pl.BlockSpec((1, H), lambda i: (0, 0)),
          pl.BlockSpec((1, H), lambda i: (0, 0)),
          pl.BlockSpec((1, 1), lambda i: (0, 0)),
          pl.BlockSpec((1, 1), lambda i: (0, 0)),
      ],
      out_specs=pl.BlockSpec((1, 1, C), lambda i: (i, 0, 0)),
      out_shape=jax.ShapeDtypeStruct((NSTEPS, 1, C), jnp.float32),
  )(h, W0, b0r, w1r, b1r, scr)

  vals = scal.reshape(NPAD)
  ids = jnp.pad(batch, (0, NPAD - N))
  shift16 = jnp.full((16,), energy_shifting_coeff, dtype=jnp.float32)
  parts = _sc_segsum_call(vals, ids, shift16)
  return (parts[0] + parts[1]).reshape(S)

# --- scband reference (transcript-rebuilt; emitter-appended) ---
"""Pipeline reference for scband-output-module-6725918785955 (READ-ONLY COPY).

The authoritative reference and input builder live on the scoring server;
editing this copy changes nothing except your own understanding.
"""

import jax, jax.numpy as jnp
import numpy as np

N = 100000
D = 128
H = 64
S = 1024

def setup_inputs(seed: int = 0) -> dict:
    key = jax.random.key(seed)
    k1, k2, k3, k4 = jax.random.split(key, 4)
    h = jax.random.normal(k1, (N, D), dtype=jnp.float32)
    batch = jnp.sort(jax.random.randint(k2, (N,), 0, S)).astype(jnp.int32)
    W0 = jax.random.normal(k3, (D, H), dtype=jnp.float32) * (1.0 / np.sqrt(D))
    b0 = jnp.zeros((H,), dtype=jnp.float32)
    W1 = jax.random.normal(k4, (H, 1), dtype=jnp.float32) * (1.0 / np.sqrt(H))
    b1 = jnp.zeros((1,), dtype=jnp.float32)
    energy_scaling_coeff = jnp.asarray(1.3, dtype=jnp.float32)
    energy_shifting_coeff = jnp.asarray(-0.7, dtype=jnp.float32)
    return {"h": h, "batch": batch, "W0": W0, "b0": b0, "W1": W1, "b1": b1,
            "energy_scaling_coeff": energy_scaling_coeff,
            "energy_shifting_coeff": energy_shifting_coeff}

def reference(h, batch, W0, b0, W1, b1, energy_scaling_coeff, energy_shifting_coeff):
    # post_conv:0 (Linear D->H)
    h = h @ W0 + b0
    # post_conv:1 (Linear H->1)
    h = h @ W1 + b1
    # squeeze last dim -> per-node scalar energy contribution
    h = jnp.squeeze(h, axis=-1)
    # scatter(..., reduce='sum') over batch ids -> per-graph energy
    e = jax.ops.segment_sum(h, batch, num_segments=S)
    energies = e * energy_scaling_coeff + energy_shifting_coeff
    return energies

if __name__ == "__main__":
    import jax
    _d = setup_inputs()
    print(jax.jit(kernel)(*tuple(_d.values())))

</pallas_src>

<mosaic_0001>
#map = affine_map<(d0, d1) -> (0)>
#map1 = affine_map<(d0, d1) -> (0, 0, 0)>
module attributes {stable_mosaic.version = 14 : i64} {
  func.func @_sc_segsum(%arg0: i32, %arg1: i32, %arg2: memref<102400xf32, #tpu.memory_space<hbm>>, %arg3: memref<102400xi32, #tpu.memory_space<hbm>>, %arg4: memref<16xf32, #tpu.memory_space<hbm>>, %arg5: memref<2x8x128xf32, #tpu.memory_space<hbm>>, %arg6: memref<3200xf32, #tpu.memory_space<vmem>>, %arg7: memref<3232xi32, #tpu.memory_space<vmem>>, %arg8: memref<8x128xf32, #tpu.memory_space<vmem>>, %arg9: memref<16x8x128xf32, #tpu.memory_space<vmem>>, %arg10: memref<8x128xf32, #tpu.memory_space<vmem>>, %arg11: memref<16xf32, #tpu.memory_space<vmem>>, %arg12: memref<16x8x128xf32, #tpu.memory_space<vmem_shared>>) attributes {dimension_semantics = [#tpu.dimension_semantics<core_parallel>, #tpu.dimension_semantics<subcore_parallel>], iteration_bounds = array<i64: 2, 16>, scalar_prefetch = 0 : i64, scratch_operands = 7 : i64, tpu.core_type = #tpu.core_type<sc_vector_subcore>, window_params = [{transform_indices = #map}, {transform_indices = #map}, {transform_indices = #map}, {transform_indices = #map1}]} {
    %mul3A = arith.constant 16 : i32
    %mul3A_0 = arith.muli %arg0, %mul3A : i32
    %add3A = arith.addi %mul3A_0, %arg1 : i32
    %mul3A_1 = arith.constant 3200 : i32
    %mul3A_2 = arith.muli %add3A, %mul3A_1 : i32
    "tpu.region"() ({
      %run_scoped3A = tpu.sem_alloc : memref<!tpu.dma_semaphore, #tpu.memory_space<semaphore_mem>>
      %dma_start3A = tpu.memref_slice %arg2[%mul3A_2] : memref<102400xf32, #tpu.memory_space<hbm>> -> memref<3200xf32, #tpu.memory_space<hbm>>
      %dma_start3A_24 = tpu.memref_slice %arg2[%mul3A_2] : memref<102400xf32, #tpu.memory_space<hbm>> -> memref<3200xf32, #tpu.memory_space<hbm>>
      tpu.enqueue_dma source(%dma_start3A_24 : memref<3200xf32, #tpu.memory_space<hbm>>) target(%arg6 : memref<3200xf32, #tpu.memory_space<vmem>>) target_semaphore(%run_scoped3A : memref<!tpu.dma_semaphore, #tpu.memory_space<semaphore_mem>>)
      %dma_wait3A = tpu.memref_slice %arg2[%mul3A_2] : memref<102400xf32, #tpu.memory_space<hbm>> -> memref<3200xf32, #tpu.memory_space<hbm>>
      %dma_wait3A_25 = tpu.memref_slice %arg2[%mul3A_2] : memref<102400xf32, #tpu.memory_space<hbm>> -> memref<3200xf32, #tpu.memory_space<hbm>>
      tpu.wait_dma2 semaphore(%run_scoped3A : memref<!tpu.dma_semaphore, #tpu.memory_space<semaphore_mem>>) src(%dma_wait3A_25 : memref<3200xf32, #tpu.memory_space<hbm>>) dst(%arg6 : memref<3200xf32, #tpu.memory_space<vmem>>)
      tpu.yield
    }) : () -> ()
    "tpu.region"() ({
      %run_scoped3A = tpu.sem_alloc : memref<!tpu.dma_semaphore, #tpu.memory_space<semaphore_mem>>
      %dma_start3A = arith.constant 16 : i32
      %dma_start3A_24 = tpu.memref_slice %arg7[%dma_start3A] : memref<3232xi32, #tpu.memory_space<vmem>> -> memref<3200xi32, #tpu.memory_space<vmem>>
      %dma_start3A_25 = tpu.memref_slice %arg3[%mul3A_2] : memref<102400xi32, #tpu.memory_space<hbm>> -> memref<3200xi32, #tpu.memory_space<hbm>>
      %dma_start3A_26 = arith.constant 16 : i32
      %dma_start3A_27 = tpu.memref_slice %arg7[%dma_start3A_26] : memref<3232xi32, #tpu.memory_space<vmem>> -> memref<3200xi32, #tpu.memory_space<vmem>>
      %dma_start3A_28 = tpu.memref_slice %arg3[%mul3A_2] : memref<102400xi32, #tpu.memory_space<hbm>> -> memref<3200xi32, #tpu.memory_space<hbm>>
      tpu.enqueue_dma source(%dma_start3A_28 : memref<3200xi32, #tpu.memory_space<hbm>>) target(%dma_start3A_27 : memref<3200xi32, #tpu.memory_space<vmem>>) target_semaphore(%run_scoped3A : memref<!tpu.dma_semaphore, #tpu.memory_space<semaphore_mem>>)
      %dma_wait3A = arith.constant 16 : i32
      %dma_wait3A_29 = tpu.memref_slice %arg7[%dma_wait3A] : memref<3232xi32, #tpu.memory_space<vmem>> -> memref<3200xi32, #tpu.memory_space<vmem>>
      %dma_wait3A_30 = tpu.memref_slice %arg3[%mul3A_2] : memref<102400xi32, #tpu.memory_space<hbm>> -> memref<3200xi32, #tpu.memory_space<hbm>>
      %dma_wait3A_31 = arith.constant 16 : i32
      %dma_wait3A_32 = tpu.memref_slice %arg7[%dma_wait3A_31] : memref<3232xi32, #tpu.memory_space<vmem>> -> memref<3200xi32, #tpu.memory_space<vmem>>
      %dma_wait3A_33 = tpu.memref_slice %arg3[%mul3A_2] : memref<102400xi32, #tpu.memory_space<hbm>> -> memref<3200xi32, #tpu.memory_space<hbm>>
      tpu.wait_dma2 semaphore(%run_scoped3A : memref<!tpu.dma_semaphore, #tpu.memory_space<semaphore_mem>>) src(%dma_wait3A_33 : memref<3200xi32, #tpu.memory_space<hbm>>) dst(%dma_wait3A_32 : memref<3200xi32, #tpu.memory_space<vmem>>)
      tpu.yield
    }) : () -> ()
    %broadcast_in_dim3A = arith.constant 0.000000e+00 : f32
    %broadcast_in_dim3A_3 = vector.broadcast %broadcast_in_dim3A : f32 to vector<16xf32>
    %iota3A = tpu.iota {dimensions = array<i32: 0>} : vector<16xi32>
    %get3A = arith.constant 16 : index
    %get3A_4 = tpu.vector_load %arg7[%get3A] {strides = array<i32>} : memref<3232xi32, #tpu.memory_space<vmem>>, vector<16xi32>,
    %mul3A_5 = arith.constant 0 : i32
    %mul3A_6 = vector.broadcast %mul3A_5 : i32 to vector<16xi32>
    %mul3A_7 = arith.muli %iota3A, %mul3A_6 : vector<16xi32>
    %broadcast_in_dim3A_8 = vector.shape_cast %mul3A_7 : vector<16xi32> to vector<16x1xi32>
    %gather3A = vector.shape_cast %broadcast_in_dim3A_8 : vector<16x1xi32> to vector<16xi32>
    %gather3A_9 = tpu.dynamic_gather %get3A_4[%gather3A] in [0] : vector<16xi32>, vector<16xi32> -> vector<16xi32>
    %swap3A = arith.constant 0 : index
    %swap3A_10 = tpu.vector_load %arg7[%swap3A] {strides = array<i32>} : memref<3232xi32, #tpu.memory_space<vmem>>, vector<16xi32>,
    tpu.vector_store %arg7[%swap3A], %gather3A_9 {strides = array<i32>} : memref<3232xi32, #tpu.memory_space<vmem>>, vector<16xi32>,
    %scan3A = arith.constant 0 : i32
    %scan3A_11 = arith.constant 0 : i32
    %scan3A_12 = arith.constant 8 : i32
    %scan3A_13 = arith.addi %scan3A_11, %scan3A_12 : i32
    %scan3A_14 = arith.constant 1 : i32
    scf.for %scan3A_24 = %scan3A_11 to %scan3A_13 step %scan3A_14  : i32 {
      %swap3A_25 = arith.index_cast %scan3A_24 : i32 to index
      %swap3A_26 = arith.constant 0 : index
      %swap3A_27 = tpu.vector_load %arg8[%swap3A_25, %swap3A_26] {strides = array<i32>} : memref<8x128xf32, #tpu.memory_space<vmem>>, vector<16xf32>,
      tpu.vector_store %arg8[%swap3A_25, %swap3A_26], %broadcast_in_dim3A_3 {strides = array<i32>} : memref<8x128xf32, #tpu.memory_space<vmem>>, vector<16xf32>,
      %swap3A_28 = arith.index_cast %scan3A_24 : i32 to index
      %swap3A_29 = arith.constant 16 : index
      %swap3A_30 = tpu.vector_load %arg8[%swap3A_28, %swap3A_29] {strides = array<i32>} : memref<8x128xf32, #tpu.memory_space<vmem>>, vector<16xf32>,
      tpu.vector_store %arg8[%swap3A_28, %swap3A_29], %broadcast_in_dim3A_3 {strides = array<i32>} : memref<8x128xf32, #tpu.memory_space<vmem>>, vector<16xf32>,
      %swap3A_31 = arith.index_cast %scan3A_24 : i32 to index
      %swap3A_32 = arith.constant 32 : index
      %swap3A_33 = tpu.vector_load %arg8[%swap3A_31, %swap3A_32] {strides = array<i32>} : memref<8x128xf32, #tpu.memory_space<vmem>>, vector<16xf32>,
      tpu.vector_store %arg8[%swap3A_31, %swap3A_32], %broadcast_in_dim3A_3 {strides = array<i32>} : memref<8x128xf32, #tpu.memory_space<vmem>>, vector<16xf32>,
      %swap3A_34 = arith.index_cast %scan3A_24 : i32 to index
      %swap3A_35 = arith.constant 48 : index
      %swap3A_36 = tpu.vector_load %arg8[%swap3A_34, %swap3A_35] {strides = array<i32>} : memref<8x128xf32, #tpu.memory_space<vmem>>, vector<16xf32>,
      tpu.vector_store %arg8[%swap3A_34, %swap3A_35], %broadcast_in_dim3A_3 {strides = array<i32>} : memref<8x128xf32, #tpu.memory_space<vmem>>, vector<16xf32>,
      %swap3A_37 = arith.index_cast %scan3A_24 : i32 to index
      %swap3A_38 = arith.constant 64 : index
      %swap3A_39 = tpu.vector_load %arg8[%swap3A_37, %swap3A_38] {strides = array<i32>} : memref<8x128xf32, #tpu.memory_space<vmem>>, vector<16xf32>,
      tpu.vector_store %arg8[%swap3A_37, %swap3A_38], %broadcast_in_dim3A_3 {strides = array<i32>} : memref<8x128xf32, #tpu.memory_space<vmem>>, vector<16xf32>,
      %swap3A_40 = arith.index_cast %scan3A_24 : i32 to index
      %swap3A_41 = arith.constant 80 : index
      %swap3A_42 = tpu.vector_load %arg8[%swap3A_40, %swap3A_41] {strides = array<i32>} : memref<8x128xf32, #tpu.memory_space<vmem>>, vector<16xf32>,
      tpu.vector_store %arg8[%swap3A_40, %swap3A_41], %broadcast_in_dim3A_3 {strides = array<i32>} : memref<8x128xf32, #tpu.memory_space<vmem>>, vector<16xf32>,
      %swap3A_43 = arith.index_cast %scan3A_24 : i32 to index
      %swap3A_44 = arith.constant 96 : index
      %swap3A_45 = tpu.vector_load %arg8[%swap3A_43, %swap3A_44] {strides = array<i32>} : memref<8x128xf32, #tpu.memory_space<vmem>>, vector<16xf32>,
      tpu.vector_store %arg8[%swap3A_43, %swap3A_44], %broadcast_in_dim3A_3 {strides = array<i32>} : memref<8x128xf32, #tpu.memory_space<vmem>>, vector<16xf32>,
      %swap3A_46 = arith.index_cast %scan3A_24 : i32 to index
      %swap3A_47 = arith.constant 112 : index
      %swap3A_48 = tpu.vector_load %arg8[%swap3A_46, %swap3A_47] {strides = array<i32>} : memref<8x128xf32, #tpu.memory_space<vmem>>, vector<16xf32>,
      tpu.vector_store %arg8[%swap3A_46, %swap3A_47], %broadcast_in_dim3A_3 {strides = array<i32>} : memref<8x128xf32, #tpu.memory_space<vmem>>, vector<16xf32>,
    }
    %scan3A_15 = arith.constant 8 : i32
    %scan3A_16 = arith.constant 0 : i32
    %scan3A_17 = arith.constant 0 : i32
    %scan3A_18 = arith.constant 100 : i32
    %scan3A_19 = arith.addi %scan3A_17, %scan3A_18 : i32
    %scan3A_20 = arith.constant 1 : i32
    scf.for %scan3A_24 = %scan3A_17 to %scan3A_19 step %scan3A_20  : i32 {
      %mul3A_25 = arith.constant 32 : i32
      %mul3A_26 = arith.muli %scan3A_24, %mul3A_25 : i32
      %get3A_27 = arith.index_cast %mul3A_26 : i32 to index
      %get3A_28 = tpu.vector_load %arg6[%get3A_27] {strides = array<i32>} : memref<3200xf32, #tpu.memory_space<vmem>>, vector<16xf32>,
      %add3A_29 = arith.constant 16 : i32
      %add3A_30 = arith.addi %add3A_29, %mul3A_26 : i32
      %get3A_31 = arith.index_cast %add3A_30 : i32 to index
      %get3A_32 = tpu.vector_load %arg7[%get3A_31] {strides = array<i32>} : memref<3232xi32, #tpu.memory_space<vmem>>, vector<16xi32>,
      %add3A_33 = arith.constant 15 : i32
      %add3A_34 = arith.addi %add3A_33, %mul3A_26 : i32
      %get3A_35 = arith.index_cast %add3A_34 : i32 to index
      %get3A_36 = tpu.vector_load %arg7[%get3A_35] {strides = array<i32>} : memref<3232xi32, #tpu.memory_space<vmem>>, vector<16xi32>,
      %add3A_37 = arith.constant 17 : i32
      %add3A_38 = arith.addi %add3A_37, %mul3A_26 : i32
      %get3A_39 = arith.index_cast %add3A_38 : i32 to index
      %get3A_40 = tpu.vector_load %arg7[%get3A_39] {strides = array<i32>} : memref<3232xi32, #tpu.memory_space<vmem>>, vector<16xi32>,
      %broadcast_in_dim3A_41 = arith.constant true
      %broadcast_in_dim3A_42 = vector.broadcast %broadcast_in_dim3A_41 : i1 to vector<16xi1>
      %masked_cumsum3A = tpu.scan <sum>, %get3A_28 masked %broadcast_in_dim3A_42 : vector<16xf32>, vector<16xi1> -> vector<16xf32>
      %sub3A = arith.subf %masked_cumsum3A, %get3A_28 : vector<16xf32>
      %ne3A = arith.cmpi ne, %get3A_32, %get3A_40 : vector<16xi32>
      %eq3A_43 = arith.constant 15 : i32
      %eq3A_44 = vector.broadcast %eq3A_43 : i32 to vector<16xi32>
      %eq3A_45 = arith.cmpi eq, %iota3A, %eq3A_44 : vector<16xi32>
      %or3A = arith.ori %ne3A, %eq3A_45 : vector<16xi1>
      %ne3A_46 = arith.cmpi ne, %get3A_32, %get3A_36 : vector<16xi32>
      %shift_right_logical3A = arith.constant 7 : i32
      %shift_right_logical3A_47 = vector.broadcast %shift_right_logical3A : i32 to vector<16xi32>
      %shift_right_logical3A_48 = arith.shrui %get3A_32, %shift_right_logical3A_47 : vector<16xi32>
      %and3A = arith.constant 127 : i32
      %and3A_49 = vector.broadcast %and3A : i32 to vector<16xi32>
      %and3A_50 = arith.andi %get3A_32, %and3A_49 : vector<16xi32>
      tpu.vector_store_idx %arg8[%shift_right_logical3A_48, %and3A_50], %masked_cumsum3A masked %or3A {add = true} : memref<8x128xf32, #tpu.memory_space<vmem>>[vector<16xi32>, vector<16xi32>], vector<16xf32>, vector<16xi1>
      %neg3A = arith.constant 0.000000e+00 : f32
      %neg3A_51 = vector.broadcast %neg3A : f32 to vector<16xf32>
      %neg3A_52 = arith.subf %neg3A_51, %sub3A : vector<16xf32>
      tpu.vector_store_idx %arg8[%shift_right_logical3A_48, %and3A_50], %neg3A_52 masked %ne3A_46 {add = true} : memref<8x128xf32, #tpu.memory_space<vmem>>[vector<16xi32>, vector<16xi32>], vector<16xf32>, vector<16xi1>
      %add3A_53 = arith.constant 16 : i32
      %add3A_54 = arith.addi %mul3A_26, %add3A_53 : i32
      %get3A_55 = arith.index_cast %add3A_54 : i32 to index
      %get3A_56 = tpu.vector_load %arg6[%get3A_55] {strides = array<i32>} : memref<3200xf32, #tpu.memory_space<vmem>>, vector<16xf32>,
      %add3A_57 = arith.constant 16 : i32
      %add3A_58 = arith.addi %add3A_57, %add3A_54 : i32
      %get3A_59 = arith.index_cast %add3A_58 : i32 to index
      %get3A_60 = tpu.vector_load %arg7[%get3A_59] {strides = array<i32>} : memref<3232xi32, #tpu.memory_space<vmem>>, vector<16xi32>,
      %add3A_61 = arith.constant 15 : i32
      %add3A_62 = arith.addi %add3A_61, %add3A_54 : i32
      %get3A_63 = arith.index_cast %add3A_62 : i32 to index
      %get3A_64 = tpu.vector_load %arg7[%get3A_63] {strides = array<i32>} : memref<3232xi32, #tpu.memory_space<vmem>>, vector<16xi32>,
      %add3A_65 = arith.constant 17 : i32
      %add3A_66 = arith.addi %add3A_65, %add3A_54 : i32
      %get3A_67 = arith.index_cast %add3A_66 : i32 to index
      %get3A_68 = tpu.vector_load %arg7[%get3A_67] {strides = array<i32>} : memref<3232xi32, #tpu.memory_space<vmem>>, vector<16xi32>,
      %broadcast_in_dim3A_69 = arith.constant true
      %broadcast_in_dim3A_70 = vector.broadcast %broadcast_in_dim3A_69 : i1 to vector<16xi1>
      %masked_cumsum3A_71 = tpu.scan <sum>, %get3A_56 masked %broadcast_in_dim3A_70 : vector<16xf32>, vector<16xi1> -> vector<16xf32>
      %sub3A_72 = arith.subf %masked_cumsum3A_71, %get3A_56 : vector<16xf32>
      %ne3A_73 = arith.cmpi ne, %get3A_60, %get3A_68 : vector<16xi32>
      %eq3A_74 = arith.constant 15 : i32
      %eq3A_75 = vector.broadcast %eq3A_74 : i32 to vector<16xi32>
      %eq3A_76 = arith.cmpi eq, %iota3A, %eq3A_75 : vector<16xi32>
      %or3A_77 = arith.ori %ne3A_73, %eq3A_76 : vector<16xi1>
      %ne3A_78 = arith.cmpi ne, %get3A_60, %get3A_64 : vector<16xi32>
      %shift_right_logical3A_79 = arith.constant 7 : i32
      %shift_right_logical3A_80 = vector.broadcast %shift_right_logical3A_79 : i32 to vector<16xi32>
      %shift_right_logical3A_81 = arith.shrui %get3A_60, %shift_right_logical3A_80 : vector<16xi32>
      %and3A_82 = arith.constant 127 : i32
      %and3A_83 = vector.broadcast %and3A_82 : i32 to vector<16xi32>
      %and3A_84 = arith.andi %get3A_60, %and3A_83 : vector<16xi32>
      tpu.vector_store_idx %arg8[%shift_right_logical3A_81, %and3A_84], %masked_cumsum3A_71 masked %or3A_77 {add = true} : memref<8x128xf32, #tpu.memory_space<vmem>>[vector<16xi32>, vector<16xi32>], vector<16xf32>, vector<16xi1>
      %neg3A_85 = arith.constant 0.000000e+00 : f32
      %neg3A_86 = vector.broadcast %neg3A_85 : f32 to vector<16xf32>
      %neg3A_87 = arith.subf %neg3A_86, %sub3A_72 : vector<16xf32>
      tpu.vector_store_idx %arg8[%shift_right_logical3A_81, %and3A_84], %neg3A_87 masked %ne3A_78 {add = true} : memref<8x128xf32, #tpu.memory_space<vmem>>[vector<16xi32>, vector<16xi32>], vector<16xf32>, vector<16xi1>
    }
    %scan3A_21 = arith.constant 100 : i32
    "tpu.region"() ({
      %run_scoped3A = tpu.sem_alloc : memref<!tpu.dma_semaphore, #tpu.memory_space<semaphore_mem>>
      %dma_start3A = arith.constant 0 : i32
      %dma_start3A_24 = arith.constant 0 : i32
      %dma_start3A_25 = tpu.memref_slice %arg12[%arg1, %dma_start3A, %dma_start3A_24] : memref<16x8x128xf32, #tpu.memory_space<vmem_shared>> -> memref<1x8x128xf32, #tpu.memory_space<vmem_shared>>
      %dma_start3A_26 = tpu.memref_squeeze %dma_start3A_25 : memref<1x8x128xf32, #tpu.memory_space<vmem_shared>> -> memref<8x128xf32, #tpu.memory_space<vmem_shared>>
      %dma_start3A_27 = arith.constant 0 : i32
      %dma_start3A_28 = arith.constant 0 : i32
      %dma_start3A_29 = tpu.memref_slice %arg12[%arg1, %dma_start3A_27, %dma_start3A_28] : memref<16x8x128xf32, #tpu.memory_space<vmem_shared>> -> memref<1x8x128xf32, #tpu.memory_space<vmem_shared>>
      %dma_start3A_30 = tpu.memref_squeeze %dma_start3A_29 : memref<1x8x128xf32, #tpu.memory_space<vmem_shared>> -> memref<8x128xf32, #tpu.memory_space<vmem_shared>>
      tpu.enqueue_dma source(%arg8 : memref<8x128xf32, #tpu.memory_space<vmem>>) target(%dma_start3A_30 : memref<8x128xf32, #tpu.memory_space<vmem_shared>>) target_semaphore(%run_scoped3A : memref<!tpu.dma_semaphore, #tpu.memory_space<semaphore_mem>>)
      %dma_wait3A = arith.constant 0 : i32
      %dma_wait3A_31 = arith.constant 0 : i32
      %dma_wait3A_32 = tpu.memref_slice %arg12[%arg1, %dma_wait3A, %dma_wait3A_31] : memref<16x8x128xf32, #tpu.memory_space<vmem_shared>> -> memref<1x8x128xf32, #tpu.memory_space<vmem_shared>>
      %dma_wait3A_33 = tpu.memref_squeeze %dma_wait3A_32 : memref<1x8x128xf32, #tpu.memory_space<vmem_shared>> -> memref<8x128xf32, #tpu.memory_space<vmem_shared>>
      %dma_wait3A_34 = arith.constant 0 : i32
      %dma_wait3A_35 = arith.constant 0 : i32
      %dma_wait3A_36 = tpu.memref_slice %arg12[%arg1, %dma_wait3A_34, %dma_wait3A_35] : memref<16x8x128xf32, #tpu.memory_space<vmem_shared>> -> memref<1x8x128xf32, #tpu.memory_space<vmem_shared>>
      %dma_wait3A_37 = tpu.memref_squeeze %dma_wait3A_36 : memref<1x8x128xf32, #tpu.memory_space<vmem_shared>> -> memref<8x128xf32, #tpu.memory_space<vmem_shared>>
      tpu.wait_dma2 semaphore(%run_scoped3A : memref<!tpu.dma_semaphore, #tpu.memory_space<semaphore_mem>>) src(%arg8 : memref<8x128xf32, #tpu.memory_space<vmem>>) dst(%dma_wait3A_37 : memref<8x128xf32, #tpu.memory_space<vmem_shared>>)
      tpu.yield
    }) : () -> ()
    %barrier3A = arith.constant 0 : index
    tpu.barrier barrier_id(%barrier3A)
    %eq3A = arith.constant 0 : i32
    %eq3A_22 = arith.cmpi eq, %arg1, %eq3A : i32
    %convert_element_type3A = arith.extui %eq3A_22 : i1 to i32
    %cond3A = arith.constant 0 : i32
    %cond3A_23 = arith.cmpi ne, %convert_element_type3A, %cond3A : i32
    scf.if %cond3A_23 {
      "tpu.region"() ({
        %run_scoped3A = tpu.sem_alloc : memref<!tpu.dma_semaphore, #tpu.memory_space<semaphore_mem>>
        tpu.enqueue_dma source(%arg12 : memref<16x8x128xf32, #tpu.memory_space<vmem_shared>>) target(%arg9 : memref<16x8x128xf32, #tpu.memory_space<vmem>>) target_semaphore(%run_scoped3A : memref<!tpu.dma_semaphore, #tpu.memory_space<semaphore_mem>>)
        tpu.wait_dma2 semaphore(%run_scoped3A : memref<!tpu.dma_semaphore, #tpu.memory_space<semaphore_mem>>) src(%arg12 : memref<16x8x128xf32, #tpu.memory_space<vmem_shared>>) dst(%arg9 : memref<16x8x128xf32, #tpu.memory_space<vmem>>)
        tpu.yield
      }) : () -> ()
      "tpu.region"() ({
        %run_scoped3A = tpu.sem_alloc : memref<!tpu.dma_semaphore, #tpu.memory_space<semaphore_mem>>
        tpu.enqueue_dma source(%arg4 : memref<16xf32, #tpu.memory_space<hbm>>) target(%arg11 : memref<16xf32, #tpu.memory_space<vmem>>) target_semaphore(%run_scoped3A : memref<!tpu.dma_semaphore, #tpu.memory_space<semaphore_mem>>)
        tpu.wait_dma2 semaphore(%run_scoped3A : memref<!tpu.dma_semaphore, #tpu.memory_space<semaphore_mem>>) src(%arg4 : memref<16xf32, #tpu.memory_space<hbm>>) dst(%arg11 : memref<16xf32, #tpu.memory_space<vmem>>)
        tpu.yield
      }) : () -> ()
      %get3A_24 = arith.constant 0 : index
      %get3A_25 = tpu.vector_load %arg11[%get3A_24] {strides = array<i32>} : memref<16xf32, #tpu.memory_space<vmem>>, vector<16xf32>,
      %eq3A_26 = arith.constant 0 : i32
      %eq3A_27 = arith.cmpi eq, %arg0, %eq3A_26 : i32
      %jit3A = arith.constant 1.000000e+00 : f32
      %jit3A_28 = arith.constant 0.000000e+00 : f32
      %select_n3A = arith.select %eq3A_27, %jit3A, %jit3A_28 : f32
      %mul3A_29 = vector.broadcast %select_n3A : f32 to vector<16xf32>
      %mul3A_30 = arith.mulf %get3A_25, %mul3A_29 : vector<16xf32>
      %scan3A_31 = arith.constant 0 : i32
      %scan3A_32 = arith.constant 0 : i32
      %scan3A_33 = arith.constant 8 : i32
      %scan3A_34 = arith.addi %scan3A_32, %scan3A_33 : i32
      %scan3A_35 = arith.constant 1 : i32
      scf.for %scan3A_37 = %scan3A_32 to %scan3A_34 step %scan3A_35  : i32 {
        %get3A_38 = arith.constant 0 : i32
        %get3A_39 = arith.index_cast %get3A_38 : i32 to index
        %get3A_40 = arith.index_cast %scan3A_37 : i32 to index
        %get3A_41 = arith.constant 0 : index
        %get3A_42 = tpu.vector_load %arg9[%get3A_39, %get3A_40, %get3A_41] {strides = array<i32>} : memref<16x8x128xf32, #tpu.memory_space<vmem>>, vector<16xf32>,
        %get3A_43 = arith.constant 1 : i32
        %get3A_44 = arith.index_cast %get3A_43 : i32 to index
        %get3A_45 = arith.index_cast %scan3A_37 : i32 to index
        %get3A_46 = arith.constant 0 : index
        %get3A_47 = tpu.vector_load %arg9[%get3A_44, %get3A_45, %get3A_46] {strides = array<i32>} : memref<16x8x128xf32, #tpu.memory_space<vmem>>, vector<16xf32>,
        %add3A_48 = arith.addf %get3A_42, %get3A_47 : vector<16xf32>
        %get3A_49 = arith.constant 2 : i32
        %get3A_50 = arith.index_cast %get3A_49 : i32 to index
        %get3A_51 = arith.index_cast %scan3A_37 : i32 to index
        %get3A_52 = arith.constant 0 : index
        %get3A_53 = tpu.vector_load %arg9[%get3A_50, %get3A_51, %get3A_52] {strides = array<i32>} : memref<16x8x128xf32, #tpu.memory_space<vmem>>, vector<16xf32>,
        %add3A_54 = arith.addf %add3A_48, %get3A_53 : vector<16xf32>
        %get3A_55 = arith.constant 3 : i32
        %get3A_56 = arith.index_cast %get3A_55 : i32 to index
        %get3A_57 = arith.index_cast %scan3A_37 : i32 to index
        %get3A_58 = arith.constant 0 : index
        %get3A_59 = tpu.vector_load %arg9[%get3A_56, %get3A_57, %get3A_58] {strides = array<i32>} : memref<16x8x128xf32, #tpu.memory_space<vmem>>, vector<16xf32>,
        %add3A_60 = arith.addf %add3A_54, %get3A_59 : vector<16xf32>
        %get3A_61 = arith.constant 4 : i32
        %get3A_62 = arith.index_cast %get3A_61 : i32 to index
        %get3A_63 = arith.index_cast %scan3A_37 : i32 to index
        %get3A_64 = arith.constant 0 : index
        %get3A_65 = tpu.vector_load %arg9[%get3A_62, %get3A_63, %get3A_64] {strides = array<i32>} : memref<16x8x128xf32, #tpu.memory_space<vmem>>, vector<16xf32>,
        %add3A_66 = arith.addf %add3A_60, %get3A_65 : vector<16xf32>
        %get3A_67 = arith.constant 5 : i32
        %get3A_68 = arith.index_cast %get3A_67 : i32 to index
        %get3A_69 = arith.index_cast %scan3A_37 : i32 to index
        %get3A_70 = arith.constant 0 : index
        %get3A_71 = tpu.vector_load %arg9[%get3A_68, %get3A_69, %get3A_70] {strides = array<i32>} : memref<16x8x128xf32, #tpu.memory_space<vmem>>, vector<16xf32>,
        %add3A_72 = arith.addf %add3A_66, %get3A_71 : vector<16xf32>
        %get3A_73 = arith.constant 6 : i32
        %get3A_74 = arith.index_cast %get3A_73 : i32 to index
        %get3A_75 = arith.index_cast %scan3A_37 : i32 to index
        %get3A_76 = arith.constant 0 : index
        %get3A_77 = tpu.vector_load %arg9[%get3A_74, %get3A_75, %get3A_76] {strides = array<i32>} : memref<16x8x128xf32, #tpu.memory_space<vmem>>, vector<16xf32>,
        %add3A_78 = arith.addf %add3A_72, %get3A_77 : vector<16xf32>
        %get3A_79 = arith.constant 7 : i32
        %get3A_80 = arith.index_cast %get3A_79 : i32 to index
        %get3A_81 = arith.index_cast %scan3A_37 : i32 to index
        %get3A_82 = arith.constant 0 : index
        %get3A_83 = tpu.vector_load %arg9[%get3A_80, %get3A_81, %get3A_82] {strides = array<i32>} : memref<16x8x128xf32, #tpu.memory_space<vmem>>, vector<16xf32>,
        %add3A_84 = arith.addf %add3A_78, %get3A_83 : vector<16xf32>
        %get3A_85 = arith.constant 8 : i32
        %get3A_86 = arith.index_cast %get3A_85 : i32 to index
        %get3A_87 = arith.index_cast %scan3A_37 : i32 to index
        %get3A_88 = arith.constant 0 : index
        %get3A_89 = tpu.vector_load %arg9[%get3A_86, %get3A_87, %get3A_88] {strides = array<i32>} : memref<16x8x128xf32, #tpu.memory_space<vmem>>, vector<16xf32>,
        %add3A_90 = arith.addf %add3A_84, %get3A_89 : vector<16xf32>
        %get3A_91 = arith.constant 9 : i32
        %get3A_92 = arith.index_cast %get3A_91 : i32 to index
        %get3A_93 = arith.index_cast %scan3A_37 : i32 to index
        %get3A_94 = arith.constant 0 : index
        %get3A_95 = tpu.vector_load %arg9[%get3A_92, %get3A_93, %get3A_94] {strides = array<i32>} : memref<16x8x128xf32, #tpu.memory_space<vmem>>, vector<16xf32>,
        %add3A_96 = arith.addf %add3A_90, %get3A_95 : vector<16xf32>
        %get3A_97 = arith.constant 10 : i32
        %get3A_98 = arith.index_cast %get3A_97 : i32 to index
        %get3A_99 = arith.index_cast %scan3A_37 : i32 to index
        %get3A_100 = arith.constant 0 : index
        %get3A_101 = tpu.vector_load %arg9[%get3A_98, %get3A_99, %get3A_100] {strides = array<i32>} : memref<16x8x128xf32, #tpu.memory_space<vmem>>, vector<16xf32>,
        %add3A_102 = arith.addf %add3A_96, %get3A_101 : vector<16xf32>
        %get3A_103 = arith.constant 11 : i32
        %get3A_104 = arith.index_cast %get3A_103 : i32 to index
        %get3A_105 = arith.index_cast %scan3A_37 : i32 to index
        %get3A_106 = arith.constant 0 : index
        %get3A_107 = tpu.vector_load %arg9[%get3A_104, %get3A_105, %get3A_106] {strides = array<i32>} : memref<16x8x128xf32, #tpu.memory_space<vmem>>, vector<16xf32>,
        %add3A_108 = arith.addf %add3A_102, %get3A_107 : vector<16xf32>
        %get3A_109 = arith.constant 12 : i32
        %get3A_110 = arith.index_cast %get3A_109 : i32 to index
        %get3A_111 = arith.index_cast %scan3A_37 : i32 to index
        %get3A_112 = arith.constant 0 : index
        %get3A_113 = tpu.vector_load %arg9[%get3A_110, %get3A_111, %get3A_112] {strides = array<i32>} : memref<16x8x128xf32, #tpu.memory_space<vmem>>, vector<16xf32>,
        %add3A_114 = arith.addf %add3A_108, %get3A_113 : vector<16xf32>
        %get3A_115 = arith.constant 13 : i32
        %get3A_116 = arith.index_cast %get3A_115 : i32 to index
        %get3A_117 = arith.index_cast %scan3A_37 : i32 to index
        %get3A_118 = arith.constant 0 : index
        %get3A_119 = tpu.vector_load %arg9[%get3A_116, %get3A_117, %get3A_118] {strides = array<i32>} : memref<16x8x128xf32, #tpu.memory_space<vmem>>, vector<16xf32>,
        %add3A_120 = arith.addf %add3A_114, %get3A_119 : vector<16xf32>
        %get3A_121 = arith.constant 14 : i32
        %get3A_122 = arith.index_cast %get3A_121 : i32 to index
        %get3A_123 = arith.index_cast %scan3A_37 : i32 to index
        %get3A_124 = arith.constant 0 : index
        %get3A_125 = tpu.vector_load %arg9[%get3A_122, %get3A_123, %get3A_124] {strides = array<i32>} : memref<16x8x128xf32, #tpu.memory_space<vmem>>, vector<16xf32>,
        %add3A_126 = arith.addf %add3A_120, %get3A_125 : vector<16xf32>
        %get3A_127 = arith.constant 15 : i32
        %get3A_128 = arith.index_cast %get3A_127 : i32 to index
        %get3A_129 = arith.index_cast %scan3A_37 : i32 to index
        %get3A_130 = arith.constant 0 : index
        %get3A_131 = tpu.vector_load %arg9[%get3A_128, %get3A_129, %get3A_130] {strides = array<i32>} : memref<16x8x128xf32, #tpu.memory_space<vmem>>, vector<16xf32>,
        %add3A_132 = arith.addf %add3A_126, %get3A_131 : vector<16xf32>
        %add3A_133 = arith.addf %add3A_132, %mul3A_30 : vector<16xf32>
        %swap3A_134 = arith.index_cast %scan3A_37 : i32 to index
        %swap3A_135 = arith.constant 0 : index
        %swap3A_136 = tpu.vector_load %arg10[%swap3A_134, %swap3A_135] {strides = array<i32>} : memref<8x128xf32, #tpu.memory_space<vmem>>, vector<16xf32>,
        tpu.vector_store %arg10[%swap3A_134, %swap3A_135], %add3A_133 {strides = array<i32>} : memref<8x128xf32, #tpu.memory_space<vmem>>, vector<16xf32>,
        %get3A_137 = arith.constant 0 : i32
        %get3A_138 = arith.index_cast %get3A_137 : i32 to index
        %get3A_139 = arith.index_cast %scan3A_37 : i32 to index
        %get3A_140 = arith.constant 16 : index
        %get3A_141 = tpu.vector_load %arg9[%get3A_138, %get3A_139, %get3A_140] {strides = array<i32>} : memref<16x8x128xf32, #tpu.memory_space<vmem>>, vector<16xf32>,
        %get3A_142 = arith.constant 1 : i32
        %get3A_143 = arith.index_cast %get3A_142 : i32 to index
        %get3A_144 = arith.index_cast %scan3A_37 : i32 to index
        %get3A_145 = arith.constant 16 : index
        %get3A_146 = tpu.vector_load %arg9[%get3A_143, %get3A_144, %get3A_145] {strides = array<i32>} : memref<16x8x128xf32, #tpu.memory_space<vmem>>, vector<16xf32>,
        %add3A_147 = arith.addf %get3A_141, %get3A_146 : vector<16xf32>
        %get3A_148 = arith.constant 2 : i32
        %get3A_149 = arith.index_cast %get3A_148 : i32 to index
        %get3A_150 = arith.index_cast %scan3A_37 : i32 to index
        %get3A_151 = arith.constant 16 : index
        %get3A_152 = tpu.vector_load %arg9[%get3A_149, %get3A_150, %get3A_151] {strides = array<i32>} : memref<16x8x128xf32, #tpu.memory_space<vmem>>, vector<16xf32>,
        %add3A_153 = arith.addf %add3A_147, %get3A_152 : vector<16xf32>
        %get3A_154 = arith.constant 3 : i32
        %get3A_155 = arith.index_cast %get3A_154 : i32 to index
        %get3A_156 = arith.index_cast %scan3A_37 : i32 to index
        %get3A_157 = arith.constant 16 : index
        %get3A_158 = tpu.vector_load %arg9[%get3A_155, %get3A_156, %get3A_157] {strides = array<i32>} : memref<16x8x128xf32, #tpu.memory_space<vmem>>, vector<16xf32>,
        %add3A_159 = arith.addf %add3A_153, %get3A_158 : vector<16xf32>
        %get3A_160 = arith.constant 4 : i32
        %get3A_161 = arith.index_cast %get3A_160 : i32 to index
        %get3A_162 = arith.index_cast %scan3A_37 : i32 to index
        %get3A_163 = arith.constant 16 : index
        %get3A_164 = tpu.vector_load %arg9[%get3A_161, %get3A_162, %get3A_163] {strides = array<i32>} : memref<16x8x128xf32, #tpu.memory_space<vmem>>, vector<16xf32>,
        %add3A_165 = arith.addf %add3A_159, %get3A_164 : vector<16xf32>
        %get3A_166 = arith.constant 5 : i32
        %get3A_167 = arith.index_cast %get3A_166 : i32 to index
        %get3A_168 = arith.index_cast %scan3A_37 : i32 to index
        %get3A_169 = arith.constant 16 : index
        %get3A_170 = tpu.vector_load %arg9[%get3A_167, %get3A_168, %get3A_169] {strides = array<i32>} : memref<16x8x128xf32, #tpu.memory_space<vmem>>, vector<16xf32>,
        %add3A_171 = arith.addf %add3A_165, %get3A_170 : vector<16xf32>
        %get3A_172 = arith.constant 6 : i32
        %get3A_173 = arith.index_cast %get3A_172 : i32 to index
        %get3A_174 = arith.index_cast %scan3A_37 : i32 to index
        %get3A_175 = arith.constant 16 : index
        %get3A_176 = tpu.vector_load %arg9[%get3A_173, %get3A_174, %get3A_175] {strides = array<i32>} : memref<16x8x128xf32, #tpu.memory_space<vmem>>, vector<16xf32>,
        %add3A_177 = arith.addf %add3A_171, %get3A_176 : vector<16xf32>
        %get3A_178 = arith.constant 7 : i32
        %get3A_179 = arith.index_cast %get3A_178 : i32 to index
        %get3A_180 = arith.index_cast %scan3A_37 : i32 to index
        %get3A_181 = arith.constant 16 : index
        %get3A_182 = tpu.vector_load %arg9[%get3A_179, %get3A_180, %get3A_181] {strides = array<i32>} : memref<16x8x128xf32, #tpu.memory_space<vmem>>, vector<16xf32>,
        %add3A_183 = arith.addf %add3A_177, %get3A_182 : vector<16xf32>
        %get3A_184 = arith.constant 8 : i32
        %get3A_185 = arith.index_cast %get3A_184 : i32 to index
        %get3A_186 = arith.index_cast %scan3A_37 : i32 to index
        %get3A_187 = arith.constant 16 : index
        %get3A_188 = tpu.vector_load %arg9[%get3A_185, %get3A_186, %get3A_187] {strides = array<i32>} : memref<16x8x128xf32, #tpu.memory_space<vmem>>, vector<16xf32>,
        %add3A_189 = arith.addf %add3A_183, %get3A_188 : vector<16xf32>
        %get3A_190 = arith.constant 9 : i32
        %get3A_191 = arith.index_cast %get3A_190 : i32 to index
        %get3A_192 = arith.index_cast %scan3A_37 : i32 to index
        %get3A_193 = arith.constant 16 : index
        %get3A_194 = tpu.vector_load %arg9[%get3A_191, %get3A_192, %get3A_193] {strides = array<i32>} : memref<16x8x128xf32, #tpu.memory_space<vmem>>, vector<16xf32>,
        %add3A_195 = arith.addf %add3A_189, %get3A_194 : vector<16xf32>
        %get3A_196 = arith.constant 10 : i32
        %get3A_197 = arith.index_cast %get3A_196 : i32 to index
        %get3A_198 = arith.index_cast %scan3A_37 : i32 to index
        %get3A_199 = arith.constant 16 : index
        %get3A_200 = tpu.vector_load %arg9[%get3A_197, %get3A_198, %get3A_199] {strides = array<i32>} : memref<16x8x128xf32, #tpu.memory_space<vmem>>, vector<16xf32>,
        %add3A_201 = arith.addf %add3A_195, %get3A_200 : vector<16xf32>
        %get3A_202 = arith.constant 11 : i32
        %get3A_203 = arith.index_cast %get3A_202 : i32 to index
        %get3A_204 = arith.index_cast %scan3A_37 : i32 to index
        %get3A_205 = arith.constant 16 : index
        %get3A_206 = tpu.vector_load %arg9[%get3A_203, %get3A_204, %get3A_205] {strides = array<i32>} : memref<16x8x128xf32, #tpu.memory_space<vmem>>, vector<16xf32>,
        %add3A_207 = arith.addf %add3A_201, %get3A_206 : vector<16xf32>
        %get3A_208 = arith.constant 12 : i32
        %get3A_209 = arith.index_cast %get3A_208 : i32 to index
        %get3A_210 = arith.index_cast %scan3A_37 : i32 to index
        %get3A_211 = arith.constant 16 : index
        %get3A_212 = tpu.vector_load %arg9[%get3A_209, %get3A_210, %get3A_211] {strides = array<i32>} : memref<16x8x128xf32, #tpu.memory_space<vmem>>, vector<16xf32>,
        %add3A_213 = arith.addf %add3A_207, %get3A_212 : vector<16xf32>
        %get3A_214 = arith.constant 13 : i32
        %get3A_215 = arith.index_cast %get3A_214 : i32 to index
        %get3A_216 = arith.index_cast %scan3A_37 : i32 to index
        %get3A_217 = arith.constant 16 : index
        %get3A_218 = tpu.vector_load %arg9[%get3A_215, %get3A_216, %get3A_217] {strides = array<i32>} : memref<16x8x128xf32, #tpu.memory_space<vmem>>, vector<16xf32>,
        %add3A_219 = arith.addf %add3A_213, %get3A_218 : vector<16xf32>
        %get3A_220 = arith.constant 14 : i32
        %get3A_221 = arith.index_cast %get3A_220 : i32 to index
        %get3A_222 = arith.index_cast %scan3A_37 : i32 to index
        %get3A_223 = arith.constant 16 : index
        %get3A_224 = tpu.vector_load %arg9[%get3A_221, %get3A_222, %get3A_223] {strides = array<i32>} : memref<16x8x128xf32, #tpu.memory_space<vmem>>, vector<16xf32>,
        %add3A_225 = arith.addf %add3A_219, %get3A_224 : vector<16xf32>
        %get3A_226 = arith.constant 15 : i32
        %get3A_227 = arith.index_cast %get3A_226 : i32 to index
        %get3A_228 = arith.index_cast %scan3A_37 : i32 to index
        %get3A_229 = arith.constant 16 : index
        %get3A_230 = tpu.vector_load %arg9[%get3A_227, %get3A_228, %get3A_229] {strides = array<i32>} : memref<16x8x128xf32, #tpu.memory_space<vmem>>, vector<16xf32>,
        %add3A_231 = arith.addf %add3A_225, %get3A_230 : vector<16xf32>
        %add3A_232 = arith.addf %add3A_231, %mul3A_30 : vector<16xf32>
        %swap3A_233 = arith.index_cast %scan3A_37 : i32 to index
        %swap3A_234 = arith.constant 16 : index
        %swap3A_235 = tpu.vector_load %arg10[%swap3A_233, %swap3A_234] {strides = array<i32>} : memref<8x128xf32, #tpu.memory_space<vmem>>, vector<16xf32>,
        tpu.vector_store %arg10[%swap3A_233, %swap3A_234], %add3A_232 {strides = array<i32>} : memref<8x128xf32, #tpu.memory_space<vmem>>, vector<16xf32>,
        %get3A_236 = arith.constant 0 : i32
        %get3A_237 = arith.index_cast %get3A_236 : i32 to index
        %get3A_238 = arith.index_cast %scan3A_37 : i32 to index
        %get3A_239 = arith.constant 32 : index
        %get3A_240 = tpu.vector_load %arg9[%get3A_237, %get3A_238, %get3A_239] {strides = array<i32>} : memref<16x8x128xf32, #tpu.memory_space<vmem>>, vector<16xf32>,
        %get3A_241 = arith.constant 1 : i32
        %get3A_242 = arith.index_cast %get3A_241 : i32 to index
        %get3A_243 = arith.index_cast %scan3A_37 : i32 to index
        %get3A_244 = arith.constant 32 : index
        %get3A_245 = tpu.vector_load %arg9[%get3A_242, %get3A_243, %get3A_244] {strides = array<i32>} : memref<16x8x128xf32, #tpu.memory_space<vmem>>, vector<16xf32>,
        %add3A_246 = arith.addf %get3A_240, %get3A_245 : vector<16xf32>
        %get3A_247 = arith.constant 2 : i32
        %get3A_248 = arith.index_cast %get3A_247 : i32 to index
        %get3A_249 = arith.index_cast %scan3A_37 : i32 to index
        %get3A_250 = arith.constant 32 : index
        %get3A_251 = tpu.vector_load %arg9[%get3A_248, %get3A_249, %get3A_250] {strides = array<i32>} : memref<16x8x128xf32, #tpu.memory_space<vmem>>, vector<16xf32>,
        %add3A_252 = arith.addf %add3A_246, %get3A_251 : vector<16xf32>
        %get3A_253 = arith.constant 3 : i32
        %get3A_254 = arith.index_cast %get3A_253 : i32 to index
        %get3A_255 = arith.index_cast %scan3A_37 : i32 to index
        %get3A_256 = arith.constant 32 : index
        %get3A_257 = tpu.vector_load %arg9[%get3A_254, %get3A_255, %get3A_256] {strides = array<i32>} : memref<16x8x128xf32, #tpu.memory_space<vmem>>, vector<16xf32>,
        %add3A_258 = arith.addf %add3A_252, %get3A_257 : vector<16xf32>
        %get3A_259 = arith.constant 4 : i32
        %get3A_260 = arith.index_cast %get3A_259 : i32 to index
        %get3A_261 = arith.index_cast %scan3A_37 : i32 to index
        %get3A_262 = arith.constant 32 : index
        %get3A_263 = tpu.vector_load %arg9[%get3A_260, %get3A_261, %get3A_262] {strides = array<i32>} : memref<16x8x128xf32, #tpu.memory_space<vmem>>, vector<16xf32>,
        %add3A_264 = arith.addf %add3A_258, %get3A_263 : vector<16xf32>
        %get3A_265 = arith.constant 5 : i32
        %get3A_266 = arith.index_cast %get3A_265 : i32 to index
        %get3A_267 = arith.index_cast %scan3A_37 : i32 to index
        %get3A_268 = arith.constant 32 : index
        %get3A_269 = tpu.vector_load %arg9[%get3A_266, %get3A_267, %get3A_268] {strides = array<i32>} : memref<16x8x128xf32, #tpu.memory_space<vmem>>, vector<16xf32>,
        %add3A_270 = arith.addf %add3A_264, %get3A_269 : vector<16xf32>
        %get3A_271 = arith.constant 6 : i32
        %get3A_272 = arith.index_cast %get3A_271 : i32 to index
        %get3A_273 = arith.index_cast %scan3A_37 : i32 to index
        %get3A_274 = arith.constant 32 : index
        %get3A_275 = tpu.vector_load %arg9[%get3A_272, %get3A_273, %get3A_274] {strides = array<i32>} : memref<16x8x128xf32, #tpu.memory_space<vmem>>, vector<16xf32>,
        %add3A_276 = arith.addf %add3A_270, %get3A_275 : vector<16xf32>
        %get3A_277 = arith.constant 7 : i32
        %get3A_278 = arith.index_cast %get3A_277 : i32 to index
        %get3A_279 = arith.index_cast %scan3A_37 : i32 to index
        %get3A_280 = arith.constant 32 : index
        %get3A_281 = tpu.vector_load %arg9[%get3A_278, %get3A_279, %get3A_280] {strides = array<i32>} : memref<16x8x128xf32, #tpu.memory_space<vmem>>, vector<16xf32>,
        %add3A_282 = arith.addf %add3A_276, %get3A_281 : vector<16xf32>
        %get3A_283 = arith.constant 8 : i32
        %get3A_284 = arith.index_cast %get3A_283 : i32 to index
        %get3A_285 = arith.index_cast %scan3A_37 : i32 to index
        %get3A_286 = arith.constant 32 : index
        %get3A_287 = tpu.vector_load %arg9[%get3A_284, %get3A_285, %get3A_286] {strides = array<i32>} : memref<16x8x128xf32, #tpu.memory_space<vmem>>, vector<16xf32>,
        %add3A_288 = arith.addf %add3A_282, %get3A_287 : vector<16xf32>
        %get3A_289 = arith.constant 9 : i32
        %get3A_290 = arith.index_cast %get3A_289 : i32 to index
        %get3A_291 = arith.index_cast %scan3A_37 : i32 to index
        %get3A_292 = arith.constant 32 : index
        %get3A_293 = tpu.vector_load %arg9[%get3A_290, %get3A_291, %get3A_292] {strides = array<i32>} : memref<16x8x128xf32, #tpu.memory_space<vmem>>, vector<16xf32>,
        %add3A_294 = arith.addf %add3A_288, %get3A_293 : vector<16xf32>
        %get3A_295 = arith.constant 10 : i32
        %get3A_296 = arith.index_cast %get3A_295 : i32 to index
        %get3A_297 = arith.index_cast %scan3A_37 : i32 to index
        %get3A_298 = arith.constant 32 : index
        %get3A_299 = tpu.vector_load %arg9[%get3A_296, %get3A_297, %get3A_298] {strides = array<i32>} : memref<16x8x128xf32, #tpu.memory_space<vmem>>, vector<16xf32>,
        %add3A_300 = arith.addf %add3A_294, %get3A_299 : vector<16xf32>
        %get3A_301 = arith.constant 11 : i32
        %get3A_302 = arith.index_cast %get3A_301 : i32 to index
        %get3A_303 = arith.index_cast %scan3A_37 : i32 to index
        %get3A_304 = arith.constant 32 : index
        %get3A_305 = tpu.vector_load %arg9[%get3A_302, %get3A_303, %get3A_304] {strides = array<i32>} : memref<16x8x128xf32, #tpu.memory_space<vmem>>, vector<16xf32>,
        %add3A_306 = arith.addf %add3A_300, %get3A_305 : vector<16xf32>
        %get3A_307 = arith.constant 12 : i32
        %get3A_308 = arith.index_cast %get3A_307 : i32 to index
        %get3A_309 = arith.index_cast %scan3A_37 : i32 to index
        %get3A_310 = arith.constant 32 : index
        %get3A_311 = tpu.vector_load %arg9[%get3A_308, %get3A_309, %get3A_310] {strides = array<i32>} : memref<16x8x128xf32, #tpu.memory_space<vmem>>, vector<16xf32>,
        %add3A_312 = arith.addf %add3A_306, %get3A_311 : vector<16xf32>
        %get3A_313 = arith.constant 13 : i32
        %get3A_314 = arith.index_cast %get3A_313 : i32 to index
        %get3A_315 = arith.index_cast %scan3A_37 : i32 to index
        %get3A_316 = arith.constant 32 : index
        %get3A_317 = tpu.vector_load %arg9[%get3A_314, %get3A_315, %get3A_316] {strides = array<i32>} : memref<16x8x128xf32, #tpu.memory_space<vmem>>, vector<16xf32>,
        %add3A_318 = arith.addf %add3A_312, %get3A_317 : vector<16xf32>
        %get3A_319 = arith.constant 14 : i32
        %get3A_320 = arith.index_cast %get3A_319 : i32 to index
        %get3A_321 = arith.index_cast %scan3A_37 : i32 to index
        %get3A_322 = arith.constant 32 : index
        %get3A_323 = tpu.vector_load %arg9[%get3A_320, %get3A_321, %get3A_322] {strides = array<i32>} : memref<16x8x128xf32, #tpu.memory_space<vmem>>, vector<16xf32>,
        %add3A_324 = arith.addf %add3A_318, %get3A_323 : vector<16xf32>
        %get3A_325 = arith.constant 15 : i32
        %get3A_326 = arith.index_cast %get3A_325 : i32 to index
        %get3A_327 = arith.index_cast %scan3A_37 : i32 to index
        %get3A_328 = arith.constant 32 : index
        %get3A_329 = tpu.vector_load %arg9[%get3A_326, %get3A_327, %get3A_328] {strides = array<i32>} : memref<16x8x128xf32, #tpu.memory_space<vmem>>, vector<16xf32>,
        %add3A_330 = arith.addf %add3A_324, %get3A_329 : vector<16xf32>
        %add3A_331 = arith.addf %add3A_330, %mul3A_30 : vector<16xf32>
        %swap3A_332 = arith.index_cast %scan3A_37 : i32 to index
        %swap3A_333 = arith.constant 32 : index
        %swap3A_334 = tpu.vector_load %arg10[%swap3A_332, %swap3A_333] {strides = array<i32>} : memref<8x128xf32, #tpu.memory_space<vmem>>, vector<16xf32>,
        tpu.vector_store %arg10[%swap3A_332, %swap3A_333], %add3A_331 {strides = array<i32>} : memref<8x128xf32, #tpu.memory_space<vmem>>, vector<16xf32>,
        %get3A_335 = arith.constant 0 : i32
        %get3A_336 = arith.index_cast %get3A_335 : i32 to index
        %get3A_337 = arith.index_cast %scan3A_37 : i32 to index
        %get3A_338 = arith.constant 48 : index
        %get3A_339 = tpu.vector_load %arg9[%get3A_336, %get3A_337, %get3A_338] {strides = array<i32>} : memref<16x8x128xf32, #tpu.memory_space<vmem>>, vector<16xf32>,
        %get3A_340 = arith.constant 1 : i32
        %get3A_341 = arith.index_cast %get3A_340 : i32 to index
        %get3A_342 = arith.index_cast %scan3A_37 : i32 to index
        %get3A_343 = arith.constant 48 : index
        %get3A_344 = tpu.vector_load %arg9[%get3A_341, %get3A_342, %get3A_343] {strides = array<i32>} : memref<16x8x128xf32, #tpu.memory_space<vmem>>, vector<16xf32>,
        %add3A_345 = arith.addf %get3A_339, %get3A_344 : vector<16xf32>
        %get3A_346 = arith.constant 2 : i32
        %get3A_347 = arith.index_cast %get3A_346 : i32 to index
        %get3A_348 = arith.index_cast %scan3A_37 : i32 to index
        %get3A_349 = arith.constant 48 : index
        %get3A_350 = tpu.vector_load %arg9[%get3A_347, %get3A_348, %get3A_349] {strides = array<i32>} : memref<16x8x128xf32, #tpu.memory_space<vmem>>, vector<16xf32>,
        %add3A_351 = arith.addf %add3A_345, %get3A_350 : vector<16xf32>
        %get3A_352 = arith.constant 3 : i32
        %get3A_353 = arith.index_cast %get3A_352 : i32 to index
        %get3A_354 = arith.index_cast %scan3A_37 : i32 to index
        %get3A_355 = arith.constant 48 : index
        %get3A_356 = tpu.vector_load %arg9[%get3A_353, %get3A_354, %get3A_355] {strides = array<i32>} : memref<16x8x128xf32, #tpu.memory_space<vmem>>, vector<16xf32>,
        %add3A_357 = arith.addf %add3A_351, %get3A_356 : vector<16xf32>
        %get3A_358 = arith.constant 4 : i32
        %get3A_359 = arith.index_cast %get3A_358 : i32 to index
        %get3A_360 = arith.index_cast %scan3A_37 : i32 to index
        %get3A_361 = arith.constant 48 : index
        %get3A_362 = tpu.vector_load %arg9[%get3A_359, %get3A_360, %get3A_361] {strides = array<i32>} : memref<16x8x128xf32, #tpu.memory_space<vmem>>, vector<16xf32>,
        %add3A_363 = arith.addf %add3A_357, %get3A_362 : vector<16xf32>
        %get3A_364 = arith.constant 5 : i32
        %get3A_365 = arith.index_cast %get3A_364 : i32 to index
        %get3A_366 = arith.index_cast %scan3A_37 : i32 to index
        %get3A_367 = arith.constant 48 : index
        %get3A_368 = tpu.vector_load %arg9[%get3A_365, %get3A_366, %get3A_367] {strides = array<i32>} : memref<16x8x128xf32, #tpu.memory_space<vmem>>, vector<16xf32>,
        %add3A_369 = arith.addf %add3A_363, %get3A_368 : vector<16xf32>
        %get3A_370 = arith.constant 6 : i32
        %get3A_371 = arith.index_cast %get3A_370 : i32 to index
        %get3A_372 = arith.index_cast %scan3A_37 : i32 to index
        %get3A_373 = arith.constant 48 : index
        %get3A_374 = tpu.vector_load %arg9[%get3A_371, %get3A_372, %get3A_373] {strides = array<i32>} : memref<16x8x128xf32, #tpu.memory_space<vmem>>, vector<16xf32>,
        %add3A_375 = arith.addf %add3A_369, %get3A_374 : vector<16xf32>
        %get3A_376 = arith.constant 7 : i32
        %get3A_377 = arith.index_cast %get3A_376 : i32 to index
        %get3A_378 = arith.index_cast %scan3A_37 : i32 to index
        %get3A_379 = arith.constant 48 : index
        %get3A_380 = tpu.vector_load %arg9[%get3A_377, %get3A_378, %get3A_379] {strides = array<i32>} : memref<16x8x128xf32, #tpu.memory_space<vmem>>, vector<16xf32>,
        %add3A_381 = arith.addf %add3A_375, %get3A_380 : vector<16xf32>
        %get3A_382 = arith.constant 8 : i32
        %get3A_383 = arith.index_cast %get3A_382 : i32 to index
        %get3A_384 = arith.index_cast %scan3A_37 : i32 to index
        %get3A_385 = arith.constant 48 : index
        %get3A_386 = tpu.vector_load %arg9[%get3A_383, %get3A_384, %get3A_385] {strides = array<i32>} : memref<16x8x128xf32, #tpu.memory_space<vmem>>, vector<16xf32>,
        %add3A_387 = arith.addf %add3A_381, %get3A_386 : vector<16xf32>
        %get3A_388 = arith.constant 9 : i32
        %get3A_389 = arith.index_cast %get3A_388 : i32 to index
        %get3A_390 = arith.index_cast %scan3A_37 : i32 to index
        %get3A_391 = arith.constant 48 : index
        %get3A_392 = tpu.vector_load %arg9[%get3A_389, %get3A_390, %get3A_391] {strides = array<i32>} : memref<16x8x128xf32, #tpu.memory_space<vmem>>, vector<16xf32>,
        %add3A_393 = arith.addf %add3A_387, %get3A_392 : vector<16xf32>
        %get3A_394 = arith.constant 10 : i32
        %get3A_395 = arith.index_cast %get3A_394 : i32 to index
        %get3A_396 = arith.index_cast %scan3A_37 : i32 to index
        %get3A_397 = arith.constant 48 : index
        %get3A_398 = tpu.vector_load %arg9[%get3A_395, %get3A_396, %get3A_397] {strides = array<i32>} : memref<16x8x128xf32, #tpu.memory_space<vmem>>, vector<16xf32>,
        %add3A_399 = arith.addf %add3A_393, %get3A_398 : vector<16xf32>
        %get3A_400 = arith.constant 11 : i32
        %get3A_401 = arith.index_cast %get3A_400 : i32 to index
        %get3A_402 = arith.index_cast %scan3A_37 : i32 to index
        %get3A_403 = arith.constant 48 : index
        %get3A_404 = tpu.vector_load %arg9[%get3A_401, %get3A_402, %get3A_403] {strides = array<i32>} : memref<16x8x128xf32, #tpu.memory_space<vmem>>, vector<16xf32>,
        %add3A_405 = arith.addf %add3A_399, %get3A_404 : vector<16xf32>
        %get3A_406 = arith.constant 12 : i32
        %get3A_407 = arith.index_cast %get3A_406 : i32 to index
        %get3A_408 = arith.index_cast %scan3A_37 : i32 to index
        %get3A_409 = arith.constant 48 : index
        %get3A_410 = tpu.vector_load %arg9[%get3A_407, %get3A_408, %get3A_409] {strides = array<i32>} : memref<16x8x128xf32, #tpu.memory_space<vmem>>, vector<16xf32>,
        %add3A_411 = arith.addf %add3A_405, %get3A_410 : vector<16xf32>
        %get3A_412 = arith.constant 13 : i32
        %get3A_413 = arith.index_cast %get3A_412 : i32 to index
        %get3A_414 = arith.index_cast %scan3A_37 : i32 to index
        %get3A_415 = arith.constant 48 : index
        %get3A_416 = tpu.vector_load %arg9[%get3A_413, %get3A_414, %get3A_415] {strides = array<i32>} : memref<16x8x128xf32, #tpu.memory_space<vmem>>, vector<16xf32>,
        %add3A_417 = arith.addf %add3A_411, %get3A_416 : vector<16xf32>
        %get3A_418 = arith.constant 14 : i32
        %get3A_419 = arith.index_cast %get3A_418 : i32 to index
        %get3A_420 = arith.index_cast %scan3A_37 : i32 to index
        %get3A_421 = arith.constant 48 : index
        %get3A_422 = tpu.vector_load %arg9[%get3A_419, %get3A_420, %get3A_421] {strides = array<i32>} : memref<16x8x128xf32, #tpu.memory_space<vmem>>, vector<16xf32>,
        %add3A_423 = arith.addf %add3A_417, %get3A_422 : vector<16xf32>
        %get3A_424 = arith.constant 15 : i32
        %get3A_425 = arith.index_cast %get3A_424 : i32 to index
        %get3A_426 = arith.index_cast %scan3A_37 : i32 to index
        %get3A_427 = arith.constant 48 : index
        %get3A_428 = tpu.vector_load %arg9[%get3A_425, %get3A_426, %get3A_427] {strides = array<i32>} : memref<16x8x128xf32, #tpu.memory_space<vmem>>, vector<16xf32>,
        %add3A_429 = arith.addf %add3A_423, %get3A_428 : vector<16xf32>
        %add3A_430 = arith.addf %add3A_429, %mul3A_30 : vector<16xf32>
        %swap3A_431 = arith.index_cast %scan3A_37 : i32 to index
        %swap3A_432 = arith.constant 48 : index
        %swap3A_433 = tpu.vector_load %arg10[%swap3A_431, %swap3A_432] {strides = array<i32>} : memref<8x128xf32, #tpu.memory_space<vmem>>, vector<16xf32>,
        tpu.vector_store %arg10[%swap3A_431, %swap3A_432], %add3A_430 {strides = array<i32>} : memref<8x128xf32, #tpu.memory_space<vmem>>, vector<16xf32>,
        %get3A_434 = arith.constant 0 : i32
        %get3A_435 = arith.index_cast %get3A_434 : i32 to index
        %get3A_436 = arith.index_cast %scan3A_37 : i32 to index
        %get3A_437 = arith.constant 64 : index
        %get3A_438 = tpu.vector_load %arg9[%get3A_435, %get3A_436, %get3A_437] {strides = array<i32>} : memref<16x8x128xf32, #tpu.memory_space<vmem>>, vector<16xf32>,
        %get3A_439 = arith.constant 1 : i32
        %get3A_440 = arith.index_cast %get3A_439 : i32 to index
        %get3A_441 = arith.index_cast %scan3A_37 : i32 to index
        %get3A_442 = arith.constant 64 : index
        %get3A_443 = tpu.vector_load %arg9[%get3A_440, %get3A_441, %get3A_442] {strides = array<i32>} : memref<16x8x128xf32, #tpu.memory_space<vmem>>, vector<16xf32>,
        %add3A_444 = arith.addf %get3A_438, %get3A_443 : vector<16xf32>
        %get3A_445 = arith.constant 2 : i32
        %get3A_446 = arith.index_cast %get3A_445 : i32 to index
        %get3A_447 = arith.index_cast %scan3A_37 : i32 to index
        %get3A_448 = arith.constant 64 : index
        %get3A_449 = tpu.vector_load %arg9[%get3A_446, %get3A_447, %get3A_448] {strides = array<i32>} : memref<16x8x128xf32, #tpu.memory_space<vmem>>, vector<16xf32>,
        %add3A_450 = arith.addf %add3A_444, %get3A_449 : vector<16xf32>
        %get3A_451 = arith.constant 3 : i32
        %get3A_452 = arith.index_cast %get3A_451 : i32 to index
        %get3A_453 = arith.index_cast %scan3A_37 : i32 to index
        %get3A_454 = arith.constant 64 : index
        %get3A_455 = tpu.vector_load %arg9[%get3A_452, %get3A_453, %get3A_454] {strides = array<i32>} : memref<16x8x128xf32, #tpu.memory_space<vmem>>, vector<16xf32>,
        %add3A_456 = arith.addf %add3A_450, %get3A_455 : vector<16xf32>
        %get3A_457 = arith.constant 4 : i32
        %get3A_458 = arith.index_cast %get3A_457 : i32 to index
        %get3A_459 = arith.index_cast %scan3A_37 : i32 to index
        %get3A_460 = arith.constant 64 : index
        %get3A_461 = tpu.vector_load %arg9[%get3A_458, %get3A_459, %get3A_460] {strides = array<i32>} : memref<16x8x128xf32, #tpu.memory_space<vmem>>, vector<16xf32>,
        %add3A_462 = arith.addf %add3A_456, %get3A_461 : vector<16xf32>
        %get3A_463 = arith.constant 5 : i32
        %get3A_464 = arith.index_cast %get3A_463 : i32 to index
        %get3A_465 = arith.index_cast %scan3A_37 : i32 to index
        %get3A_466 = arith.constant 64 : index
        %get3A_467 = tpu.vector_load %arg9[%get3A_464, %get3A_465, %get3A_466] {strides = array<i32>} : memref<16x8x128xf32, #tpu.memory_space<vmem>>, vector<16xf32>,
        %add3A_468 = arith.addf %add3A_462, %get3A_467 : vector<16xf32>
        %get3A_469 = arith.constant 6 : i32
        %get3A_470 = arith.index_cast %get3A_469 : i32 to index
        %get3A_471 = arith.index_cast %scan3A_37 : i32 to index
        %get3A_472 = arith.constant 64 : index
        %get3A_473 = tpu.vector_load %arg9[%get3A_470, %get3A_471, %get3A_472] {strides = array<i32>} : memref<16x8x128xf32, #tpu.memory_space<vmem>>, vector<16xf32>,
        %add3A_474 = arith.addf %add3A_468, %get3A_473 : vector<16xf32>
        %get3A_475 = arith.constant 7 : i32
        %get3A_476 = arith.index_cast %get3A_475 : i32 to index
        %get3A_477 = arith.index_cast %scan3A_37 : i32 to index
        %get3A_478 = arith.constant 64 : index
        %get3A_479 = tpu.vector_load %arg9[%get3A_476, %get3A_477, %get3A_478] {strides = array<i32>} : memref<16x8x128xf32, #tpu.memory_space<vmem>>, vector<16xf32>,
        %add3A_480 = arith.addf %add3A_474, %get3A_479 : vector<16xf32>
        %get3A_481 = arith.constant 8 : i32
        %get3A_482 = arith.index_cast %get3A_481 : i32 to index
        %get3A_483 = arith.index_cast %scan3A_37 : i32 to index
        %get3A_484 = arith.constant 64 : index
        %get3A_485 = tpu.vector_load %arg9[%get3A_482, %get3A_483, %get3A_484] {strides = array<i32>} : memref<16x8x128xf32, #tpu.memory_space<vmem>>, vector<16xf32>,
        %add3A_486 = arith.addf %add3A_480, %get3A_485 : vector<16xf32>
        %get3A_487 = arith.constant 9 : i32
        %get3A_488 = arith.index_cast %get3A_487 : i32 to index
        %get3A_489 = arith.index_cast %scan3A_37 : i32 to index
        %get3A_490 = arith.constant 64 : index
        %get3A_491 = tpu.vector_load %arg9[%get3A_488, %get3A_489, %get3A_490] {strides = array<i32>} : memref<16x8x128xf32, #tpu.memory_space<vmem>>, vector<16xf32>,
        %add3A_492 = arith.addf %add3A_486, %get3A_491 : vector<16xf32>
        %get3A_493 = arith.constant 10 : i32
        %get3A_494 = arith.index_cast %get3A_493 : i32 to index
        %get3A_495 = arith.index_cast %scan3A_37 : i32 to index
        %get3A_496 = arith.constant 64 : index
        %get3A_497 = tpu.vector_load %arg9[%get3A_494, %get3A_495, %get3A_496] {strides = array<i32>} : memref<16x8x128xf32, #tpu.memory_space<vmem>>, vector<16xf32>,
        %add3A_498 = arith.addf %add3A_492, %get3A_497 : vector<16xf32>
        %get3A_499 = arith.constant 11 : i32
        %get3A_500 = arith.index_cast %get3A_499 : i32 to index
        %get3A_501 = arith.index_cast %scan3A_37 : i32 to index
        %get3A_502 = arith.constant 64 : index
        %get3A_503 = tpu.vector_load %arg9[%get3A_500, %get3A_501, %get3A_502] {strides = array<i32>} : memref<16x8x128xf32, #tpu.memory_space<vmem>>, vector<16xf32>,
        %add3A_504 = arith.addf %add3A_498, %get3A_503 : vector<16xf32>
        %get3A_505 = arith.constant 12 : i32
        %get3A_506 = arith.index_cast %get3A_505 : i32 to index
        %get3A_507 = arith.index_cast %scan3A_37 : i32 to index
        %get3A_508 = arith.constant 64 : index
        %get3A_509 = tpu.vector_load %arg9[%get3A_506, %get3A_507, %get3A_508] {strides = array<i32>} : memref<16x8x128xf32, #tpu.memory_space<vmem>>, vector<16xf32>,
        %add3A_510 = arith.addf %add3A_504, %get3A_509 : vector<16xf32>
        %get3A_511 = arith.constant 13 : i32
        %get3A_512 = arith.index_cast %get3A_511 : i32 to index
        %get3A_513 = arith.index_cast %scan3A_37 : i32 to index
        %get3A_514 = arith.constant 64 : index
        %get3A_515 = tpu.vector_load %arg9[%get3A_512, %get3A_513, %get3A_514] {strides = array<i32>} : memref<16x8x128xf32, #tpu.memory_space<vmem>>, vector<16xf32>,
        %add3A_516 = arith.addf %add3A_510, %get3A_515 : vector<16xf32>
        %get3A_517 = arith.constant 14 : i32
        %get3A_518 = arith.index_cast %get3A_517 : i32 to index
        %get3A_519 = arith.index_cast %scan3A_37 : i32 to index
        %get3A_520 = arith.constant 64 : index
        %get3A_521 = tpu.vector_load %arg9[%get3A_518, %get3A_519, %get3A_520] {strides = array<i32>} : memref<16x8x128xf32, #tpu.memory_space<vmem>>, vector<16xf32>,
        %add3A_522 = arith.addf %add3A_516, %get3A_521 : vector<16xf32>
        %get3A_523 = arith.constant 15 : i32
        %get3A_524 = arith.index_cast %get3A_523 : i32 to index
        %get3A_525 = arith.index_cast %scan3A_37 : i32 to index
        %get3A_526 = arith.constant 64 : index
        %get3A_527 = tpu.vector_load %arg9[%get3A_524, %get3A_525, %get3A_526] {strides = array<i32>} : memref<16x8x128xf32, #tpu.memory_space<vmem>>, vector<16xf32>,
        %add3A_528 = arith.addf %add3A_522, %get3A_527 : vector<16xf32>
        %add3A_529 = arith.addf %add3A_528, %mul3A_30 : vector<16xf32>
        %swap3A_530 = arith.index_cast %scan3A_37 : i32 to index
        %swap3A_531 = arith.constant 64 : index
        %swap3A_532 = tpu.vector_load %arg10[%swap3A_530, %swap3A_531] {strides = array<i32>} : memref<8x128xf32, #tpu.memory_space<vmem>>, vector<16xf32>,
        tpu.vector_store %arg10[%swap3A_530, %swap3A_531], %add3A_529 {strides = array<i32>} : memref<8x128xf32, #tpu.memory_space<vmem>>, vector<16xf32>,
        %get3A_533 = arith.constant 0 : i32
        %get3A_534 = arith.index_cast %get3A_533 : i32 to index
        %get3A_535 = arith.index_cast %scan3A_37 : i32 to index
        %get3A_536 = arith.constant 80 : index
        %get3A_537 = tpu.vector_load %arg9[%get3A_534, %get3A_535, %get3A_536] {strides = array<i32>} : memref<16x8x128xf32, #tpu.memory_space<vmem>>, vector<16xf32>,
        %get3A_538 = arith.constant 1 : i32
        %get3A_539 = arith.index_cast %get3A_538 : i32 to index
        %get3A_540 = arith.index_cast %scan3A_37 : i32 to index
        %get3A_541 = arith.constant 80 : index
        %get3A_542 = tpu.vector_load %arg9[%get3A_539, %get3A_540, %get3A_541] {strides = array<i32>} : memref<16x8x128xf32, #tpu.memory_space<vmem>>, vector<16xf32>,
        %add3A_543 = arith.addf %get3A_537, %get3A_542 : vector<16xf32>
        %get3A_544 = arith.constant 2 : i32
        %get3A_545 = arith.index_cast %get3A_544 : i32 to index
        %get3A_546 = arith.index_cast %scan3A_37 : i32 to index
        %get3A_547 = arith.constant 80 : index
        %get3A_548 = tpu.vector_load %arg9[%get3A_545, %get3A_546, %get3A_547] {strides = array<i32>} : memref<16x8x128xf32, #tpu.memory_space<vmem>>, vector<16xf32>,
        %add3A_549 = arith.addf %add3A_543, %get3A_548 : vector<16xf32>
        %get3A_550 = arith.constant 3 : i32
        %get3A_551 = arith.index_cast %get3A_550 : i32 to index
        %get3A_552 = arith.index_cast %scan3A_37 : i32 to index
        %get3A_553 = arith.constant 80 : index
        %get3A_554 = tpu.vector_load %arg9[%get3A_551, %get3A_552, %get3A_553] {strides = array<i32>} : memref<16x8x128xf32, #tpu.memory_space<vmem>>, vector<16xf32>,
        %add3A_555 = arith.addf %add3A_549, %get3A_554 : vector<16xf32>
        %get3A_556 = arith.constant 4 : i32
        %get3A_557 = arith.index_cast %get3A_556 : i32 to index
        %get3A_558 = arith.index_cast %scan3A_37 : i32 to index
        %get3A_559 = arith.constant 80 : index
        %get3A_560 = tpu.vector_load %arg9[%get3A_557, %get3A_558, %get3A_559] {strides = array<i32>} : memref<16x8x128xf32, #tpu.memory_space<vmem>>, vector<16xf32>,
        %add3A_561 = arith.addf %add3A_555, %get3A_560 : vector<16xf32>
        %get3A_562 = arith.constant 5 : i32
        %get3A_563 = arith.index_cast %get3A_562 : i32 to index
        %get3A_564 = arith.index_cast %scan3A_37 : i32 to index
        %get3A_565 = arith.constant 80 : index
        %get3A_566 = tpu.vector_load %arg9[%get3A_563, %get3A_564, %get3A_565] {strides = array<i32>} : memref<16x8x128xf32, #tpu.memory_space<vmem>>, vector<16xf32>,
        %add3A_567 = arith.addf %add3A_561, %get3A_566 : vector<16xf32>
        %get3A_568 = arith.constant 6 : i32
        %get3A_569 = arith.index_cast %get3A_568 : i32 to index
        %get3A_570 = arith.index_cast %scan3A_37 : i32 to index
        %get3A_571 = arith.constant 80 : index
        %get3A_572 = tpu.vector_load %arg9[%get3A_569, %get3A_570, %get3A_571] {strides = array<i32>} : memref<16x8x128xf32, #tpu.memory_space<vmem>>, vector<16xf32>,
        %add3A_573 = arith.addf %add3A_567, %get3A_572 : vector<16xf32>
        %get3A_574 = arith.constant 7 : i32
        %get3A_575 = arith.index_cast %get3A_574 : i32 to index
        %get3A_576 = arith.index_cast %scan3A_37 : i32 to index
        %get3A_577 = arith.constant 80 : index
        %get3A_578 = tpu.vector_load %arg9[%get3A_575, %get3A_576, %get3A_577] {strides = array<i32>} : memref<16x8x128xf32, #tpu.memory_space<vmem>>, vector<16xf32>,
        %add3A_579 = arith.addf %add3A_573, %get3A_578 : vector<16xf32>
        %get3A_580 = arith.constant 8 : i32
        %get3A_581 = arith.index_cast %get3A_580 : i32 to index
        %get3A_582 = arith.index_cast %scan3A_37 : i32 to index
        %get3A_583 = arith.constant 80 : index
        %get3A_584 = tpu.vector_load %arg9[%get3A_581, %get3A_582, %get3A_583] {strides = array<i32>} : memref<16x8x128xf32, #tpu.memory_space<vmem>>, vector<16xf32>,
        %add3A_585 = arith.addf %add3A_579, %get3A_584 : vector<16xf32>
        %get3A_586 = arith.constant 9 : i32
        %get3A_587 = arith.index_cast %get3A_586 : i32 to index
        %get3A_588 = arith.index_cast %scan3A_37 : i32 to index
        %get3A_589 = arith.constant 80 : index
        %get3A_590 = tpu.vector_load %arg9[%get3A_587, %get3A_588, %get3A_589] {strides = array<i32>} : memref<16x8x128xf32, #tpu.memory_space<vmem>>, vector<16xf32>,
        %add3A_591 = arith.addf %add3A_585, %get3A_590 : vector<16xf32>
        %get3A_592 = arith.constant 10 : i32
        %get3A_593 = arith.index_cast %get3A_592 : i32 to index
        %get3A_594 = arith.index_cast %scan3A_37 : i32 to index
        %get3A_595 = arith.constant 80 : index
        %get3A_596 = tpu.vector_load %arg9[%get3A_593, %get3A_594, %get3A_595] {strides = array<i32>} : memref<16x8x128xf32, #tpu.memory_space<vmem>>, vector<16xf32>,
        %add3A_597 = arith.addf %add3A_591, %get3A_596 : vector<16xf32>
        %get3A_598 = arith.constant 11 : i32
        %get3A_599 = arith.index_cast %get3A_598 : i32 to index
        %get3A_600 = arith.index_cast %scan3A_37 : i32 to index
        %get3A_601 = arith.constant 80 : index
        %get3A_602 = tpu.vector_load %arg9[%get3A_599, %get3A_600, %get3A_601] {strides = array<i32>} : memref<16x8x128xf32, #tpu.memory_space<vmem>>, vector<16xf32>,
        %add3A_603 = arith.addf %add3A_597, %get3A_602 : vector<16xf32>
        %get3A_604 = arith.constant 12 : i32
        %get3A_605 = arith.index_cast %get3A_604 : i32 to index
        %get3A_606 = arith.index_cast %scan3A_37 : i32 to index
        %get3A_607 = arith.constant 80 : index
        %get3A_608 = tpu.vector_load %arg9[%get3A_605, %get3A_606, %get3A_607] {strides = array<i32>} : memref<16x8x128xf32, #tpu.memory_space<vmem>>, vector<16xf32>,
        %add3A_609 = arith.addf %add3A_603, %get3A_608 : vector<16xf32>
        %get3A_610 = arith.constant 13 : i32
        %get3A_611 = arith.index_cast %get3A_610 : i32 to index
        %get3A_612 = arith.index_cast %scan3A_37 : i32 to index
        %get3A_613 = arith.constant 80 : index
        %get3A_614 = tpu.vector_load %arg9[%get3A_611, %get3A_612, %get3A_613] {strides = array<i32>} : memref<16x8x128xf32, #tpu.memory_space<vmem>>, vector<16xf32>,
        %add3A_615 = arith.addf %add3A_609, %get3A_614 : vector<16xf32>
        %get3A_616 = arith.constant 14 : i32
        %get3A_617 = arith.index_cast %get3A_616 : i32 to index
        %get3A_618 = arith.index_cast %scan3A_37 : i32 to index
        %get3A_619 = arith.constant 80 : index
        %get3A_620 = tpu.vector_load %arg9[%get3A_617, %get3A_618, %get3A_619] {strides = array<i32>} : memref<16x8x128xf32, #tpu.memory_space<vmem>>, vector<16xf32>,
        %add3A_621 = arith.addf %add3A_615, %get3A_620 : vector<16xf32>
        %get3A_622 = arith.constant 15 : i32
        %get3A_623 = arith.index_cast %get3A_622 : i32 to index
        %get3A_624 = arith.index_cast %scan3A_37 : i32 to index
        %get3A_625 = arith.constant 80 : index
        %get3A_626 = tpu.vector_load %arg9[%get3A_623, %get3A_624, %get3A_625] {strides = array<i32>} : memref<16x8x128xf32, #tpu.memory_space<vmem>>, vector<16xf32>,
        %add3A_627 = arith.addf %add3A_621, %get3A_626 : vector<16xf32>
        %add3A_628 = arith.addf %add3A_627, %mul3A_30 : vector<16xf32>
        %swap3A_629 = arith.index_cast %scan3A_37 : i32 to index
        %swap3A_630 = arith.constant 80 : index
        %swap3A_631 = tpu.vector_load %arg10[%swap3A_629, %swap3A_630] {strides = array<i32>} : memref<8x128xf32, #tpu.memory_space<vmem>>, vector<16xf32>,
        tpu.vector_store %arg10[%swap3A_629, %swap3A_630], %add3A_628 {strides = array<i32>} : memref<8x128xf32, #tpu.memory_space<vmem>>, vector<16xf32>,
        %get3A_632 = arith.constant 0 : i32
        %get3A_633 = arith.index_cast %get3A_632 : i32 to index
        %get3A_634 = arith.index_cast %scan3A_37 : i32 to index
        %get3A_635 = arith.constant 96 : index
        %get3A_636 = tpu.vector_load %arg9[%get3A_633, %get3A_634, %get3A_635] {strides = array<i32>} : memref<16x8x128xf32, #tpu.memory_space<vmem>>, vector<16xf32>,
        %get3A_637 = arith.constant 1 : i32
        %get3A_638 = arith.index_cast %get3A_637 : i32 to index
        %get3A_639 = arith.index_cast %scan3A_37 : i32 to index
        %get3A_640 = arith.constant 96 : index
        %get3A_641 = tpu.vector_load %arg9[%get3A_638, %get3A_639, %get3A_640] {strides = array<i32>} : memref<16x8x128xf32, #tpu.memory_space<vmem>>, vector<16xf32>,
        %add3A_642 = arith.addf %get3A_636, %get3A_641 : vector<16xf32>
        %get3A_643 = arith.constant 2 : i32
        %get3A_644 = arith.index_cast %get3A_643 : i32 to index
        %get3A_645 = arith.index_cast %scan3A_37 : i32 to index
        %get3A_646 = arith.constant 96 : index
        %get3A_647 = tpu.vector_load %arg9[%get3A_644, %get3A_645, %get3A_646] {strides = array<i32>} : memref<16x8x128xf32, #tpu.memory_space<vmem>>, vector<16xf32>,
        %add3A_648 = arith.addf %add3A_642, %get3A_647 : vector<16xf32>
        %get3A_649 = arith.constant 3 : i32
        %get3A_650 = arith.index_cast %get3A_649 : i32 to index
        %get3A_651 = arith.index_cast %scan3A_37 : i32 to index
        %get3A_652 = arith.constant 96 : index
        %get3A_653 = tpu.vector_load %arg9[%get3A_650, %get3A_651, %get3A_652] {strides = array<i32>} : memref<16x8x128xf32, #tpu.memory_space<vmem>>, vector<16xf32>,
        %add3A_654 = arith.addf %add3A_648, %get3A_653 : vector<16xf32>
        %get3A_655 = arith.constant 4 : i32
        %get3A_656 = arith.index_cast %get3A_655 : i32 to index
        %get3A_657 = arith.index_cast %scan3A_37 : i32 to index
        %get3A_658 = arith.constant 96 : index
        %get3A_659 = tpu.vector_load %arg9[%get3A_656, %get3A_657, %get3A_658] {strides = array<i32>} : memref<16x8x128xf32, #tpu.memory_space<vmem>>, vector<16xf32>,
        %add3A_660 = arith.addf %add3A_654, %get3A_659 : vector<16xf32>
        %get3A_661 = arith.constant 5 : i32
        %get3A_662 = arith.index_cast %get3A_661 : i32 to index
        %get3A_663 = arith.index_cast %scan3A_37 : i32 to index
        %get3A_664 = arith.constant 96 : index
        %get3A_665 = tpu.vector_load %arg9[%get3A_662, %get3A_663, %get3A_664] {strides = array<i32>} : memref<16x8x128xf32, #tpu.memory_space<vmem>>, vector<16xf32>,
        %add3A_666 = arith.addf %add3A_660, %get3A_665 : vector<16xf32>
        %get3A_667 = arith.constant 6 : i32
        %get3A_668 = arith.index_cast %get3A_667 : i32 to index
        %get3A_669 = arith.index_cast %scan3A_37 : i32 to index
        %get3A_670 = arith.constant 96 : index
        %get3A_671 = tpu.vector_load %arg9[%get3A_668, %get3A_669, %get3A_670] {strides = array<i32>} : memref<16x8x128xf32, #tpu.memory_space<vmem>>, vector<16xf32>,
        %add3A_672 = arith.addf %add3A_666, %get3A_671 : vector<16xf32>
        %get3A_673 = arith.constant 7 : i32
        %get3A_674 = arith.index_cast %get3A_673 : i32 to index
        %get3A_675 = arith.index_cast %scan3A_37 : i32 to index
        %get3A_676 = arith.constant 96 : index
        %get3A_677 = tpu.vector_load %arg9[%get3A_674, %get3A_675, %get3A_676] {strides = array<i32>} : memref<16x8x128xf32, #tpu.memory_space<vmem>>, vector<16xf32>,
        %add3A_678 = arith.addf %add3A_672, %get3A_677 : vector<16xf32>
        %get3A_679 = arith.constant 8 : i32
        %get3A_680 = arith.index_cast %get3A_679 : i32 to index
        %get3A_681 = arith.index_cast %scan3A_37 : i32 to index
        %get3A_682 = arith.constant 96 : index
        %get3A_683 = tpu.vector_load %arg9[%get3A_680, %get3A_681, %get3A_682] {strides = array<i32>} : memref<16x8x128xf32, #tpu.memory_space<vmem>>, vector<16xf32>,
        %add3A_684 = arith.addf %add3A_678, %get3A_683 : vector<16xf32>
        %get3A_685 = arith.constant 9 : i32
        %get3A_686 = arith.index_cast %get3A_685 : i32 to index
        %get3A_687 = arith.index_cast %scan3A_37 : i32 to index
        %get3A_688 = arith.constant 96 : index
        %get3A_689 = tpu.vector_load %arg9[%get3A_686, %get3A_687, %get3A_688] {strides = array<i32>} : memref<16x8x128xf32, #tpu.memory_space<vmem>>, vector<16xf32>,
        %add3A_690 = arith.addf %add3A_684, %get3A_689 : vector<16xf32>
        %get3A_691 = arith.constant 10 : i32
        %get3A_692 = arith.index_cast %get3A_691 : i32 to index
        %get3A_693 = arith.index_cast %scan3A_37 : i32 to index
        %get3A_694 = arith.constant 96 : index
        %get3A_695 = tpu.vector_load %arg9[%get3A_692, %get3A_693, %get3A_694] {strides = array<i32>} : memref<16x8x128xf32, #tpu.memory_space<vmem>>, vector<16xf32>,
        %add3A_696 = arith.addf %add3A_690, %get3A_695 : vector<16xf32>
        %get3A_697 = arith.constant 11 : i32
        %get3A_698 = arith.index_cast %get3A_697 : i32 to index
        %get3A_699 = arith.index_cast %scan3A_37 : i32 to index
        %get3A_700 = arith.constant 96 : index
        %get3A_701 = tpu.vector_load %arg9[%get3A_698, %get3A_699, %get3A_700] {strides = array<i32>} : memref<16x8x128xf32, #tpu.memory_space<vmem>>, vector<16xf32>,
        %add3A_702 = arith.addf %add3A_696, %get3A_701 : vector<16xf32>
        %get3A_703 = arith.constant 12 : i32
        %get3A_704 = arith.index_cast %get3A_703 : i32 to index
        %get3A_705 = arith.index_cast %scan3A_37 : i32 to index
        %get3A_706 = arith.constant 96 : index
        %get3A_707 = tpu.vector_load %arg9[%get3A_704, %get3A_705, %get3A_706] {strides = array<i32>} : memref<16x8x128xf32, #tpu.memory_space<vmem>>, vector<16xf32>,
        %add3A_708 = arith.addf %add3A_702, %get3A_707 : vector<16xf32>
        %get3A_709 = arith.constant 13 : i32
        %get3A_710 = arith.index_cast %get3A_709 : i32 to index
        %get3A_711 = arith.index_cast %scan3A_37 : i32 to index
        %get3A_712 = arith.constant 96 : index
        %get3A_713 = tpu.vector_load %arg9[%get3A_710, %get3A_711, %get3A_712] {strides = array<i32>} : memref<16x8x128xf32, #tpu.memory_space<vmem>>, vector<16xf32>,
        %add3A_714 = arith.addf %add3A_708, %get3A_713 : vector<16xf32>
        %get3A_715 = arith.constant 14 : i32
        %get3A_716 = arith.index_cast %get3A_715 : i32 to index
        %get3A_717 = arith.index_cast %scan3A_37 : i32 to index
        %get3A_718 = arith.constant 96 : index
        %get3A_719 = tpu.vector_load %arg9[%get3A_716, %get3A_717, %get3A_718] {strides = array<i32>} : memref<16x8x128xf32, #tpu.memory_space<vmem>>, vector<16xf32>,
        %add3A_720 = arith.addf %add3A_714, %get3A_719 : vector<16xf32>
        %get3A_721 = arith.constant 15 : i32
        %get3A_722 = arith.index_cast %get3A_721 : i32 to index
        %get3A_723 = arith.index_cast %scan3A_37 : i32 to index
        %get3A_724 = arith.constant 96 : index
        %get3A_725 = tpu.vector_load %arg9[%get3A_722, %get3A_723, %get3A_724] {strides = array<i32>} : memref<16x8x128xf32, #tpu.memory_space<vmem>>, vector<16xf32>,
        %add3A_726 = arith.addf %add3A_720, %get3A_725 : vector<16xf32>
        %add3A_727 = arith.addf %add3A_726, %mul3A_30 : vector<16xf32>
        %swap3A_728 = arith.index_cast %scan3A_37 : i32 to index
        %swap3A_729 = arith.constant 96 : index
        %swap3A_730 = tpu.vector_load %arg10[%swap3A_728, %swap3A_729] {strides = array<i32>} : memref<8x128xf32, #tpu.memory_space<vmem>>, vector<16xf32>,
        tpu.vector_store %arg10[%swap3A_728, %swap3A_729], %add3A_727 {strides = array<i32>} : memref<8x128xf32, #tpu.memory_space<vmem>>, vector<16xf32>,
        %get3A_731 = arith.constant 0 : i32
        %get3A_732 = arith.index_cast %get3A_731 : i32 to index
        %get3A_733 = arith.index_cast %scan3A_37 : i32 to index
        %get3A_734 = arith.constant 112 : index
        %get3A_735 = tpu.vector_load %arg9[%get3A_732, %get3A_733, %get3A_734] {strides = array<i32>} : memref<16x8x128xf32, #tpu.memory_space<vmem>>, vector<16xf32>,
        %get3A_736 = arith.constant 1 : i32
        %get3A_737 = arith.index_cast %get3A_736 : i32 to index
        %get3A_738 = arith.index_cast %scan3A_37 : i32 to index
        %get3A_739 = arith.constant 112 : index
        %get3A_740 = tpu.vector_load %arg9[%get3A_737, %get3A_738, %get3A_739] {strides = array<i32>} : memref<16x8x128xf32, #tpu.memory_space<vmem>>, vector<16xf32>,
        %add3A_741 = arith.addf %get3A_735, %get3A_740 : vector<16xf32>
        %get3A_742 = arith.constant 2 : i32
        %get3A_743 = arith.index_cast %get3A_742 : i32 to index
        %get3A_744 = arith.index_cast %scan3A_37 : i32 to index
        %get3A_745 = arith.constant 112 : index
        %get3A_746 = tpu.vector_load %arg9[%get3A_743, %get3A_744, %get3A_745] {strides = array<i32>} : memref<16x8x128xf32, #tpu.memory_space<vmem>>, vector<16xf32>,
        %add3A_747 = arith.addf %add3A_741, %get3A_746 : vector<16xf32>
        %get3A_748 = arith.constant 3 : i32
        %get3A_749 = arith.index_cast %get3A_748 : i32 to index
        %get3A_750 = arith.index_cast %scan3A_37 : i32 to index
        %get3A_751 = arith.constant 112 : index
        %get3A_752 = tpu.vector_load %arg9[%get3A_749, %get3A_750, %get3A_751] {strides = array<i32>} : memref<16x8x128xf32, #tpu.memory_space<vmem>>, vector<16xf32>,
        %add3A_753 = arith.addf %add3A_747, %get3A_752 : vector<16xf32>
        %get3A_754 = arith.constant 4 : i32
        %get3A_755 = arith.index_cast %get3A_754 : i32 to index
        %get3A_756 = arith.index_cast %scan3A_37 : i32 to index
        %get3A_757 = arith.constant 112 : index
        %get3A_758 = tpu.vector_load %arg9[%get3A_755, %get3A_756, %get3A_757] {strides = array<i32>} : memref<16x8x128xf32, #tpu.memory_space<vmem>>, vector<16xf32>,
        %add3A_759 = arith.addf %add3A_753, %get3A_758 : vector<16xf32>
        %get3A_760 = arith.constant 5 : i32
        %get3A_761 = arith.index_cast %get3A_760 : i32 to index
        %get3A_762 = arith.index_cast %scan3A_37 : i32 to index
        %get3A_763 = arith.constant 112 : index
        %get3A_764 = tpu.vector_load %arg9[%get3A_761, %get3A_762, %get3A_763] {strides = array<i32>} : memref<16x8x128xf32, #tpu.memory_space<vmem>>, vector<16xf32>,
        %add3A_765 = arith.addf %add3A_759, %get3A_764 : vector<16xf32>
        %get3A_766 = arith.constant 6 : i32
        %get3A_767 = arith.index_cast %get3A_766 : i32 to index
        %get3A_768 = arith.index_cast %scan3A_37 : i32 to index
        %get3A_769 = arith.constant 112 : index
        %get3A_770 = tpu.vector_load %arg9[%get3A_767, %get3A_768, %get3A_769] {strides = array<i32>} : memref<16x8x128xf32, #tpu.memory_space<vmem>>, vector<16xf32>,
        %add3A_771 = arith.addf %add3A_765, %get3A_770 : vector<16xf32>
        %get3A_772 = arith.constant 7 : i32
        %get3A_773 = arith.index_cast %get3A_772 : i32 to index
        %get3A_774 = arith.index_cast %scan3A_37 : i32 to index
        %get3A_775 = arith.constant 112 : index
        %get3A_776 = tpu.vector_load %arg9[%get3A_773, %get3A_774, %get3A_775] {strides = array<i32>} : memref<16x8x128xf32, #tpu.memory_space<vmem>>, vector<16xf32>,
        %add3A_777 = arith.addf %add3A_771, %get3A_776 : vector<16xf32>
        %get3A_778 = arith.constant 8 : i32
        %get3A_779 = arith.index_cast %get3A_778 : i32 to index
        %get3A_780 = arith.index_cast %scan3A_37 : i32 to index
        %get3A_781 = arith.constant 112 : index
        %get3A_782 = tpu.vector_load %arg9[%get3A_779, %get3A_780, %get3A_781] {strides = array<i32>} : memref<16x8x128xf32, #tpu.memory_space<vmem>>, vector<16xf32>,
        %add3A_783 = arith.addf %add3A_777, %get3A_782 : vector<16xf32>
        %get3A_784 = arith.constant 9 : i32
        %get3A_785 = arith.index_cast %get3A_784 : i32 to index
        %get3A_786 = arith.index_cast %scan3A_37 : i32 to index
        %get3A_787 = arith.constant 112 : index
        %get3A_788 = tpu.vector_load %arg9[%get3A_785, %get3A_786, %get3A_787] {strides = array<i32>} : memref<16x8x128xf32, #tpu.memory_space<vmem>>, vector<16xf32>,
        %add3A_789 = arith.addf %add3A_783, %get3A_788 : vector<16xf32>
        %get3A_790 = arith.constant 10 : i32
        %get3A_791 = arith.index_cast %get3A_790 : i32 to index
        %get3A_792 = arith.index_cast %scan3A_37 : i32 to index
        %get3A_793 = arith.constant 112 : index
        %get3A_794 = tpu.vector_load %arg9[%get3A_791, %get3A_792, %get3A_793] {strides = array<i32>} : memref<16x8x128xf32, #tpu.memory_space<vmem>>, vector<16xf32>,
        %add3A_795 = arith.addf %add3A_789, %get3A_794 : vector<16xf32>
        %get3A_796 = arith.constant 11 : i32
        %get3A_797 = arith.index_cast %get3A_796 : i32 to index
        %get3A_798 = arith.index_cast %scan3A_37 : i32 to index
        %get3A_799 = arith.constant 112 : index
        %get3A_800 = tpu.vector_load %arg9[%get3A_797, %get3A_798, %get3A_799] {strides = array<i32>} : memref<16x8x128xf32, #tpu.memory_space<vmem>>, vector<16xf32>,
        %add3A_801 = arith.addf %add3A_795, %get3A_800 : vector<16xf32>
        %get3A_802 = arith.constant 12 : i32
        %get3A_803 = arith.index_cast %get3A_802 : i32 to index
        %get3A_804 = arith.index_cast %scan3A_37 : i32 to index
        %get3A_805 = arith.constant 112 : index
        %get3A_806 = tpu.vector_load %arg9[%get3A_803, %get3A_804, %get3A_805] {strides = array<i32>} : memref<16x8x128xf32, #tpu.memory_space<vmem>>, vector<16xf32>,
        %add3A_807 = arith.addf %add3A_801, %get3A_806 : vector<16xf32>
        %get3A_808 = arith.constant 13 : i32
        %get3A_809 = arith.index_cast %get3A_808 : i32 to index
        %get3A_810 = arith.index_cast %scan3A_37 : i32 to index
        %get3A_811 = arith.constant 112 : index
        %get3A_812 = tpu.vector_load %arg9[%get3A_809, %get3A_810, %get3A_811] {strides = array<i32>} : memref<16x8x128xf32, #tpu.memory_space<vmem>>, vector<16xf32>,
        %add3A_813 = arith.addf %add3A_807, %get3A_812 : vector<16xf32>
        %get3A_814 = arith.constant 14 : i32
        %get3A_815 = arith.index_cast %get3A_814 : i32 to index
        %get3A_816 = arith.index_cast %scan3A_37 : i32 to index
        %get3A_817 = arith.constant 112 : index
        %get3A_818 = tpu.vector_load %arg9[%get3A_815, %get3A_816, %get3A_817] {strides = array<i32>} : memref<16x8x128xf32, #tpu.memory_space<vmem>>, vector<16xf32>,
        %add3A_819 = arith.addf %add3A_813, %get3A_818 : vector<16xf32>
        %get3A_820 = arith.constant 15 : i32
        %get3A_821 = arith.index_cast %get3A_820 : i32 to index
        %get3A_822 = arith.index_cast %scan3A_37 : i32 to index
        %get3A_823 = arith.constant 112 : index
        %get3A_824 = tpu.vector_load %arg9[%get3A_821, %get3A_822, %get3A_823] {strides = array<i32>} : memref<16x8x128xf32, #tpu.memory_space<vmem>>, vector<16xf32>,
        %add3A_825 = arith.addf %add3A_819, %get3A_824 : vector<16xf32>
        %add3A_826 = arith.addf %add3A_825, %mul3A_30 : vector<16xf32>
        %swap3A_827 = arith.index_cast %scan3A_37 : i32 to index
        %swap3A_828 = arith.constant 112 : index
        %swap3A_829 = tpu.vector_load %arg10[%swap3A_827, %swap3A_828] {strides = array<i32>} : memref<8x128xf32, #tpu.memory_space<vmem>>, vector<16xf32>,
        tpu.vector_store %arg10[%swap3A_827, %swap3A_828], %add3A_826 {strides = array<i32>} : memref<8x128xf32, #tpu.memory_space<vmem>>, vector<16xf32>,
      }
      %scan3A_36 = arith.constant 8 : i32
      "tpu.region"() ({
        %run_scoped3A = tpu.sem_alloc : memref<!tpu.dma_semaphore, #tpu.memory_space<semaphore_mem>>
        %dma_start3A = arith.constant 0 : i32
        %dma_start3A_37 = arith.constant 0 : i32
        %dma_start3A_38 = tpu.memref_slice %arg5[%arg0, %dma_start3A, %dma_start3A_37] : memref<2x8x128xf32, #tpu.memory_space<hbm>> -> memref<1x8x128xf32, #tpu.memory_space<hbm>>
        %dma_start3A_39 = tpu.memref_squeeze %dma_start3A_38 : memref<1x8x128xf32, #tpu.memory_space<hbm>> -> memref<8x128xf32, #tpu.memory_space<hbm>>
        %dma_start3A_40 = arith.constant 0 : i32
        %dma_start3A_41 = arith.constant 0 : i32
        %dma_start3A_42 = tpu.memref_slice %arg5[%arg0, %dma_start3A_40, %dma_start3A_41] : memref<2x8x128xf32, #tpu.memory_space<hbm>> -> memref<1x8x128xf32, #tpu.memory_space<hbm>>
        %dma_start3A_43 = tpu.memref_squeeze %dma_start3A_42 : memref<1x8x128xf32, #tpu.memory_space<hbm>> -> memref<8x128xf32, #tpu.memory_space<hbm>>
        tpu.enqueue_dma source(%arg10 : memref<8x128xf32, #tpu.memory_space<vmem>>) target(%dma_start3A_43 : memref<8x128xf32, #tpu.memory_space<hbm>>) target_semaphore(%run_scoped3A : memref<!tpu.dma_semaphore, #tpu.memory_space<semaphore_mem>>)
        %dma_wait3A = arith.constant 0 : i32
        %dma_wait3A_44 = arith.constant 0 : i32
        %dma_wait3A_45 = tpu.memref_slice %arg5[%arg0, %dma_wait3A, %dma_wait3A_44] : memref<2x8x128xf32, #tpu.memory_space<hbm>> -> memref<1x8x128xf32, #tpu.memory_space<hbm>>
        %dma_wait3A_46 = tpu.memref_squeeze %dma_wait3A_45 : memref<1x8x128xf32, #tpu.memory_space<hbm>> -> memref<8x128xf32, #tpu.memory_space<hbm>>
        %dma_wait3A_47 = arith.constant 0 : i32
        %dma_wait3A_48 = arith.constant 0 : i32
        %dma_wait3A_49 = tpu.memref_slice %arg5[%arg0, %dma_wait3A_47, %dma_wait3A_48] : memref<2x8x128xf32, #tpu.memory_space<hbm>> -> memref<1x8x128xf32, #tpu.memory_space<hbm>>
        %dma_wait3A_50 = tpu.memref_squeeze %dma_wait3A_49 : memref<1x8x128xf32, #tpu.memory_space<hbm>> -> memref<8x128xf32, #tpu.memory_space<hbm>>
        tpu.wait_dma2 semaphore(%run_scoped3A : memref<!tpu.dma_semaphore, #tpu.memory_space<semaphore_mem>>) src(%arg10 : memref<8x128xf32, #tpu.memory_space<vmem>>) dst(%dma_wait3A_50 : memref<8x128xf32, #tpu.memory_space<hbm>>)
        tpu.yield
      }) : () -> ()
    } else {
    }
    return
  }
}

module attributes {stable_mosaic.version = 14 : i64} {
  func.func @_mlp_kernel(%arg0: i32, %arg1: memref<20480x128xf32, #tpu.memory_space<vmem>>, %arg2: memref<128x64xf32, #tpu.memory_space<vmem>>, %arg3: memref<1x64xf32, #tpu.memory_space<vmem>>, %arg4: memref<1x64xf32, #tpu.memory_space<vmem>>, %arg5: memref<1x1xf32, #tpu.memory_space<vmem>>, %arg6: memref<1x1xf32, #tpu.memory_space<vmem>>, %arg7: memref<1x1x20480xf32, #tpu.memory_space<vmem>>) attributes {dimension_semantics = [#tpu.dimension_semantics<arbitrary>], iteration_bounds = array<i64: 5>, scalar_prefetch = 0 : i64, scratch_operands = 0 : i64, tpu.core_type = #tpu.core_type<tc>, window_params = [{transform_indices = @transform_0, window_bounds = array<i64: 20480, 128>}, {pipeline_mode = #tpu.pipeline_mode<synchronous>, transform_indices = @transform_1, window_bounds = array<i64: 128, 64>}, {pipeline_mode = #tpu.pipeline_mode<synchronous>, transform_indices = @transform_2, window_bounds = array<i64: 1, 64>}, {pipeline_mode = #tpu.pipeline_mode<synchronous>, transform_indices = @transform_3, window_bounds = array<i64: 1, 64>}, {pipeline_mode = #tpu.pipeline_mode<synchronous>, transform_indices = @transform_4, window_bounds = array<i64: 1, 1>}, {pipeline_mode = #tpu.pipeline_mode<synchronous>, transform_indices = @transform_5, window_bounds = array<i64: 1, 1>}, {transform_indices = @transform_6, window_bounds = array<i64: 1, 1, 20480>}]} {
    %get3A = arith.constant 0 : index
    %get3A_0 = arith.constant 0 : index
    %get3A_1 = vector.load %arg1[%get3A, %get3A_0] : memref<20480x128xf32, #tpu.memory_space<vmem>>, vector<20480x128xf32>
    %get3A_2 = arith.constant 0 : index
    %get3A_3 = arith.constant 0 : index
    %get3A_4 = vector.load %arg2[%get3A_2, %get3A_3] : memref<128x64xf32, #tpu.memory_space<vmem>>, vector<128x64xf32>
    %dot_general3A = arith.constant dense<0.000000e+00> : vector<20480x64xf32>
    %dot_general3A_5 = tpu.matmul %get3A_1, %get3A_4, %dot_general3A {dimension_numbers = #tpu.dot_dimension_numbers<[1], [0], [0], [1], [0, 0, 1, 1], [], []>, transpose_lhs_hint = false} : vector<20480x128xf32>, vector<128x64xf32>, vector<20480x64xf32> -> vector<20480x64xf32>
    %get3A_6 = arith.constant 0 : index
    %get3A_7 = arith.constant 0 : index
    %get3A_8 = vector.load %arg3[%get3A_6, %get3A_7] : memref<1x64xf32, #tpu.memory_space<vmem>>, vector<1x64xf32>
    %add3A = vector.broadcast %get3A_8 : vector<1x64xf32> to vector<20480x64xf32>
    %add3A_9 = arith.addf %dot_general3A_5, %add3A : vector<20480x64xf32>
    %get3A_10 = arith.constant 0 : index
    %get3A_11 = arith.constant 0 : index
    %get3A_12 = vector.load %arg6[%get3A_10, %get3A_11] : memref<1x1xf32, #tpu.memory_space<vmem>>, vector<1x1xf32>
    %get3A_13 = vector.extract %get3A_12[0, 0] : f32 from vector<1x1xf32>
    %get3A_14 = arith.constant 0 : index
    %get3A_15 = arith.constant 0 : index
    %get3A_16 = vector.load %arg4[%get3A_14, %get3A_15] : memref<1x64xf32, #tpu.memory_space<vmem>>, vector<1x64xf32>
    %mul3A = vector.broadcast %get3A_13 : f32 to vector<1x64xf32>
    %mul3A_17 = arith.mulf %get3A_16, %mul3A : vector<1x64xf32>
    %dot_general3A_18 = arith.constant dense<0.000000e+00> : vector<1x20480xf32>
    %dot_general3A_19 = tpu.matmul %mul3A_17, %add3A_9, %dot_general3A_18 {dimension_numbers = #tpu.dot_dimension_numbers<[1], [1], [0], [0], [0, 0, 1, 0], [], []>, transpose_lhs_hint = false} : vector<1x64xf32>, vector<20480x64xf32>, vector<1x20480xf32> -> vector<1x20480xf32>
    %get3A_20 = arith.constant 0 : index
    %get3A_21 = arith.constant 0 : index
    %get3A_22 = vector.load %arg5[%get3A_20, %get3A_21] : memref<1x1xf32, #tpu.memory_space<vmem>>, vector<1x1xf32>
    %get3A_23 = vector.extract %get3A_22[0, 0] : f32 from vector<1x1xf32>
    %mul3A_24 = arith.mulf %get3A_23, %get3A_13 : f32
    %add3A_25 = vector.broadcast %mul3A_24 : f32 to vector<1x20480xf32>
    %add3A_26 = arith.addf %dot_general3A_19, %add3A_25 : vector<1x20480xf32>
    %mul3A_27 = arith.constant 20480 : i32
    %mul3A_28 = arith.muli %arg0, %mul3A_27 : i32
    %iota3A = tpu.iota {dimensions = array<i32: 1>} : vector<1x20480xi32>
    %add3A_29 = vector.broadcast %mul3A_28 : i32 to vector<1x20480xi32>
    %add3A_30 = arith.addi %add3A_29, %iota3A : vector<1x20480xi32>
    %lt3A = arith.constant 100000 : i32
    %lt3A_31 = vector.broadcast %lt3A : i32 to vector<1x20480xi32>
    %lt3A_32 = arith.cmpi slt, %add3A_30, %lt3A_31 : vector<1x20480xi32>
    %jit3A = arith.constant 0.000000e+00 : f32
    %broadcast_in_dim3A = vector.broadcast %jit3A : f32 to vector<1x20480xf32>
    %select_n3A = arith.select %lt3A_32, %add3A_26, %broadcast_in_dim3A : vector<1x20480xi1>, vector<1x20480xf32>
    %reshape3A = vector.shape_cast %select_n3A : vector<1x20480xf32> to vector<1x1x20480xf32>
    %swap3A = arith.constant 0 : index
    %swap3A_33 = arith.constant 0 : index
    %swap3A_34 = arith.constant 0 : index
    %swap3A_35 = vector.load %arg7[%swap3A, %swap3A_33, %swap3A_34] : memref<1x1x20480xf32, #tpu.memory_space<vmem>>, vector<1x1x20480xf32>
    tpu.vector_store %arg7[%swap3A, %swap3A_33, %swap3A_34], %reshape3A {strides = array<i32>} : memref<1x1x20480xf32, #tpu.memory_space<vmem>>, vector<1x1x20480xf32>,
    return
  }
  func.func @transform_0(%arg0: i32) -> (i32, i32) {
    %c0_i32 = arith.constant 0 : i32
    %c0_i32_0 = arith.constant 0 : i32
    return %arg0, %c0_i32 : i32, i32
  }
  func.func @transform_1(%arg0: i32) -> (i32, i32) {
    %c0_i32 = arith.constant 0 : i32
    %c0_i32_0 = arith.constant 0 : i32
    %c0_i32_1 = arith.constant 0 : i32
    return %c0_i32, %c0_i32_0 : i32, i32
  }
  func.func @transform_2(%arg0: i32) -> (i32, i32) {
    %c0_i32 = arith.constant 0 : i32
    %c0_i32_0 = arith.constant 0 : i32
    %c0_i32_1 = arith.constant 0 : i32
    return %c0_i32, %c0_i32_0 : i32, i32
  }
  func.func @transform_3(%arg0: i32) -> (i32, i32) {
    %c0_i32 = arith.constant 0 : i32
    %c0_i32_0 = arith.constant 0 : i32
    %c0_i32_1 = arith.constant 0 : i32
    return %c0_i32, %c0_i32_0 : i32, i32
  }
  func.func @transform_4(%arg0: i32) -> (i32, i32) {
    %c0_i32 = arith.constant 0 : i32
    %c0_i32_0 = arith.constant 0 : i32
    %c0_i32_1 = arith.constant 0 : i32
    return %c0_i32, %c0_i32_0 : i32, i32
  }
  func.func @transform_5(%arg0: i32) -> (i32, i32) {
    %c0_i32 = arith.constant 0 : i32
    %c0_i32_0 = arith.constant 0 : i32
    %c0_i32_1 = arith.constant 0 : i32
    return %c0_i32, %c0_i32_0 : i32, i32
  }
  func.func @transform_6(%arg0: i32) -> (i32, i32, i32) {
    %c0_i32 = arith.constant 0 : i32
    %c0_i32_0 = arith.constant 0 : i32
    %c0_i32_1 = arith.constant 0 : i32
    return %arg0, %c0_i32, %c0_i32_0 : i32, i32, i32
  }
}

</mosaic_0001>

<sc_bundles>
// kernel: kernel.4.cloned.1.call-start
scs
__scs_entry_jumppad:
0x0: {  	(pc) =	sbr.rel $0x88, $3  }
0x1: {  	(tag) =	ssettag $0x0;
	lr =	simm.s32 $0x1  }
0x2: {  	[smem:$0x3F99] =	sst lr;
	_ =	strace $0xD0000000  }
0x3: {  	_ = 	snop  }
0x4: {  	_ = 	snop  }
0x5: {  	_ = 	snop  }
0x6: {  	_ = 	snop  }
0x7: {  	_ = 	snop  }
__scs_overlays_trampoline_lowered:
0x8: {  	[smem:$0x3FA8] =	sst s0  }
0x9: {  	[smem:$0x3FA9] =	sst s1  }
0xa: {  	[smem:$0x3FAA] =	sst s2  }
0xb: {  	[smem:$0x3FAB] =	sst s3  }
0xc: {  	[smem:$0x3FAC] =	sst s4  }
0xd: {  	[smem:$0x3FAD] =	sst s5  }
0xe: {  	[smem:$0x3FAE] =	sst s6  }
0xf: {  	[smem:$0x3FAF] =	sst s7  }
0x10: {  	[smem:$0x3FB0] =	sst s8  }
0x11: {  	[smem:$0x3FB1] =	sst s9;
	s0 =	simm.s32 @!p0 $0x0  }
0x12: {  	s1 =	sld [smem:$0x3F97];
	s0 =	simm.s32 @p0 $0x1  }
0x13: {  	[smem:$0x3FB2] =	sst s0;
	s0 =	simm.s32 @!p1 $0x0  }
0x14: {  	s2 =	sld [smem:$0x3F96];
	s0 =	simm.s32 @p1 $0x1  }
0x15: {  	[smem:$0x3FB3] =	sst s0;
	s0 =	simm.s32 @!p2 $0x0  }
0x16: {  	s3 =	sld [smem:$0x3FDB];
	s0 =	simm.s32 @p2 $0x1  }
0x17: {  	s4 =	simm.s32 $0x1BF5;
	[smem:$0x3FB5] =	sst s0  }
0x18: {  	s0 =	sld [smem:$0x3F98];
	_ =	swait.ge [sflag:s4], $0x0  }
0x19: {  	s7 =	sld [smem:$0x3F99]  }
0x1a: {  	s8 =	sadd.s32 $0xFFFFE003, lr  }
0x1b: {  	s9 =	sadd.s32 $0xFFFFFEF7, lr;
	s5 =	simm.s32 $0xFFFFFFFF;
	p2 =	slt.u32 s8, $0xFFFFF086  }
0x1c: {  	p1 =	slt.u32 s9, $0xF7A;
	s5 =	simm.s32 @!p2 $0x0  }
0x1d: {  	s5 =	simm.s32 @p1 $0x1;
	p0 =	seq.s32 s7, s2  }
0x1e: {  	s7 =	smul.u32 @!p0 $0xF7A, s2;
	p2 =	seq.s32 @!p0 s5, $0x0  }
0x1f: {  	s9 =	smul.u32 $0xF7A, s1;
	s8 =	simm.s32 @!p0 $0x1BF5;
	p2 =	por !p2, p0  }
0x20: {  	[sflag:s8] =	ssyncset.s32 @!p0 $0xFFFFF086;
	s6 =	sadd.s32 @!p0 s3, s7;
	s7 =	simm.s32 @!p0 $0x108  }
0x21: {  	s3 =	sadd.s32 s3, s9;
	s6 =	sadd.s32 @!p0 $0x88, s6;
	s7 =	simm.s32 @p2 $0x1082  }
0x22: {  	[simem:s7], [sflag:s8] =	dma.local @!p0 [hbm:s6], $0xF7A  }
0x23: {  	s9 =	sor.u32 $0xD0000000, s2;
	s6 =	simm.s32 $0x108;
	_ =	swait.ge @!p0 [sflag:s8], $0x0  }
0x24: {  	s3 =	sadd.s32 $0x88, s3;
	s6 =	simm.s32 @!p1 $0x1082;
	[sflag:s4] =	ssyncset.s32 $0xFFFFF086  }
0x25: {  	[simem:s6], [sflag:s4] =	dma.local [hbm:s3], $0xF7A  }
0x26: {  	[smem:$0x3F99] =	sst s1;
	(tag) =	ssettag s2;
	_ =	strace s9  }
0x27: {  	s1 =	sld [smem:$0x3FA9]  }
0x28: {  	s2 =	sld [smem:$0x3FAA]  }
0x29: {  	s4 =	sld [smem:$0x3FAC]  }
0x2a: {  	p0 =	seq.s32 s5, $0x0;
	s5 =	sld [smem:$0x3FAD]  }
0x2b: {  	s6 =	sld [smem:$0x3FAE]  }
0x2c: {  	s7 =	sld [smem:$0x3FAF]  }
0x2d: {  	s3 =	simm.s32 $0x108;
	s8 =	sld [smem:$0x3FB0]  }
0x2e: {  	s3 =	simm.s32 @!p0 $0x1082;
	s9 =	sld [smem:$0x3FB1]  }
0x2f: {  	lr =	sadd.s32 s0, s3;
	s0 =	sld [smem:$0x3FA8]  }
0x30: {  	s3 =	sld [smem:$0x3FAB]  }
0x31: {  	[smem:$0x3FB4] =	sst s10  }
0x32: {  	s10 =	sld [smem:$0x3FB2];
	_ =	sdelay $0x3  }
0x33: {  	p0 =	seq.s32 s10, $0x1;
	s10 =	sld [smem:$0x3FB4];
	_ =	sdelay $0x3  }
0x34: {  	[smem:$0x3FB4] =	sst s10  }
0x35: {  	s10 =	sld [smem:$0x3FB3];
	_ =	sdelay $0x3  }
0x36: {  	p1 =	seq.s32 s10, $0x1;
	s10 =	sld [smem:$0x3FB4];
	_ =	sdelay $0x3  }
0x37: {  	[smem:$0x3FB4] =	sst s10  }
0x38: {  	s10 =	sld [smem:$0x3FB5]  }
0x39: {  	_ = 	snop;
	(pc) =	sbr.ind lr, $3  }
0x3a: {  	_ = 	snop  }
0x3b: {  	_ = 	snop  }
0x3c: {  	p2 =	seq.s32 s10, $0x1;
	s10 =	sld [smem:$0x3FB4]  }
0x3d: {  	_ =	shalt  }
0x3e: {  	_ =	shalt  }
0x3f: {  	_ =	shalt  }
0x40: {  	_ =	shalt  }
0x41: {  	_ =	shalt  }
0x42: {  	_ =	shalt  }
0x43: {  	_ =	shalt  }
0x44: {  	_ =	shalt  }
0x45: {  	_ =	shalt  }
0x46: {  	_ =	shalt  }
0x47: {  	_ =	shalt  }
0x48: {  	_ =	shalt  }
0x49: {  	_ =	shalt  }
0x4a: {  	_ =	shalt  }
0x4b: {  	_ =	shalt  }
0x4c: {  	_ =	shalt  }
0x4d: {  	_ =	shalt  }
0x4e: {  	_ =	shalt  }
0x4f: {  	_ =	shalt  }
0x50: {  	_ =	shalt  }
0x51: {  	_ =	shalt  }
0x52: {  	_ =	shalt  }
0x53: {  	_ =	shalt  }
0x54: {  	_ =	shalt  }
0x55: {  	_ =	shalt  }
0x56: {  	_ =	shalt  }
0x57: {  	_ =	shalt  }
0x58: {  	_ =	shalt  }
0x59: {  	_ =	shalt  }
0x5a: {  	_ =	shalt  }
0x5b: {  	_ =	shalt  }
0x5c: {  	_ =	shalt  }
0x5d: {  	_ =	shalt  }
0x5e: {  	_ =	shalt  }
0x5f: {  	_ =	shalt  }
0x60: {  	_ =	shalt  }
0x61: {  	_ =	shalt  }
0x62: {  	_ =	shalt  }
0x63: {  	_ =	shalt  }
0x64: {  	_ =	shalt  }
0x65: {  	_ =	shalt  }
0x66: {  	_ =	shalt  }
0x67: {  	_ =	shalt  }
0x68: {  	_ =	shalt  }
0x69: {  	_ =	shalt  }
0x6a: {  	_ =	shalt  }
0x6b: {  	_ =	shalt  }
0x6c: {  	_ =	shalt  }
0x6d: {  	_ =	shalt  }
0x6e: {  	_ =	shalt  }
0x6f: {  	_ =	shalt  }
0x70: {  	_ =	shalt  }
0x71: {  	_ =	shalt  }
0x72: {  	_ =	shalt  }
0x73: {  	_ =	shalt  }
0x74: {  	_ =	shalt  }
0x75: {  	_ =	shalt  }
0x76: {  	_ =	shalt  }
0x77: {  	_ =	shalt  }
0x78: {  	_ =	shalt  }
0x79: {  	_ =	shalt  }
0x7a: {  	_ =	shalt  }
0x7b: {  	_ =	shalt  }
0x7c: {  	_ =	shalt  }
0x7d: {  	_ =	shalt  }
0x7e: {  	_ =	shalt  }
0x7f: {  	_ =	shalt  }
0x80: {  	_ =	shalt  }
0x81: {  	_ =	shalt  }
0x82: {  	_ =	shalt  }
0x83: {  	_ =	shalt  }
0x84: {  	_ =	shalt  }
0x85: {  	_ =	shalt  }
0x86: {  	_ =	shalt  }
0x87: {  	_ =	shalt  }
.Lfunc_end0:
.L_simem_size_0:
called_computation_lowered:
.L_overlay_start_0:
0x88: {  	s2 =	sld [smem:$0x3FD9]  }
0x89: {  	s3 =	sld [smem:$0x3FFE];
	_ =	sdelay $0x1  }
0x8a: {  	s1 =	srdreg.scid  }
0x8b: {  	s0 =	sand.u32 $0x1, s1  }
0x8c: {  	s17 =	sshll.u32 s0, $0xA;
	s2 =	sadd.s32 s3, s2  }
0x8d: {  	s2 =	sadd.s32 s2, s17  }
0x8e: {  	[smem:$0x3FC0] =	sst s2  }
0x8f: {  	_ = 	snop  }
0x90: {  	s2 =	sld [smem:$0x3FD0];
	(tm) =	ssettm $0x1  }
0x91: {  	s18 =	sld [smem:$0x3FFB];
	_ =	sdelay $0x3  }
0x92: {  	_ =	strace s18  }
0x93: {  	s3 =	sld [smem:$0x3FFC];
	_ =	sdelay $0x3  }
0x94: {  	_ =	strace s3  }
0x95: {  	s3 =	sld [smem:$0x3FFD];
	_ =	sdelay $0x3  }
0x96: {  	_ =	strace s3  }
0x97: {  	_ =	strace $0x8FFFFFFF  }
0x98: {  	s19 =	sld [smem:$0x3FDB];
	_ =	sdelay $0x1  }
0x99: {  	s4 =	simm.s32 $_scs_section_size  }
0x9a: {  	s5 =	simm.s32 $_size__tile_overlayer_lowered;
	s6 =	simm.s32 $_tile_overlayer_lowered  }
0x9b: {  	s22 =	simm.s32 $0x1BFF;
	s21 =	sshll.u32 s6, $0x1;
	s3 =	sadd.s32 s4, s19  }
0x9c: {  	s7 =	simm.s32 $0x0;
	s20 =	sshll.u32 s5, $0x1;
	s5 =	sadd.s32 s21, s3  }
0x9d: {  	[timem:s7], [sflag:s22] =	dma.local [hbm:s5], s20  }
0x9e: {  	_ =	swait.ge [sflag:s22], s20  }
0x9f: {  	s4 =	ssub.s32 $0x0, s20;
	[sflag:s22] =	ssyncset.done $0x0  }
0xa0: {  	[sflag:s22] =	ssyncadd.s32 s4;
	_ =	sdelay $0x1  }
0xa1: {  	s23 =	simm.s32 $0x1B8B  }
0xa2: {  	_ =	swait.ge [sflag:s23], $0x1  }
0xa3: {  	[sflag:s23] =	ssyncset.done $0x0  }
0xa4: {  	s25 =	simm.s32 $0x1B8E;
	s24 =	sld [smem:$0x3FFE];
	[sflag:s23] =	ssyncadd.s32 $0xFFFFFFFF  }
0xa5: {  	s26 =	simm.s32 $execute0_lowered;
	[smem:$0x3FD2] =	sst s25  }
0xa6: {  	s5 =	sshll.u32 s26, $0x1;
	_ =	strace $0x80000046;
	[dreg:$0x1] =	wrdreg $0xFFFFFFFF  }
0xa7: {  	s28 =	simm.s32 $_size_execute0_lowered;
	s3 =	sadd.s32 s3, s5;
	[dreg:$0x0] =	wrdreg $0x0  }
0xa8: {  	s5 =	sshll.u32 s28, $0x1;
	[dreg:$0x2] =	wrdreg s3  }
0xa9: {  	[dreg:$0x3] =	wrdreg s5  }
0xaa: {  	[dreg:$0x4] =	wrdreg $0xC0  }
0xab: {  	_ =	task [dreg:s7], $0x5FFFF  }
0xac: {  	[dreg:$0x1] =	wrdreg $0xFFFFFFFF  }
0xad: {  	[dreg:$0x0] =	wrdreg $0x60  }
0xae: {  	[dreg:$0x2] =	wrdreg s24  }
0xaf: {  	[dreg:$0x3] =	wrdreg s2  }
0xb0: {  	[dreg:$0x4] =	wrdreg $0x62000  }
0xb1: {  	[dreg:$0x5] =	wrdreg $0x9  }
0xb2: {  	_ =	task.clear_ibuf [dreg:s7], $0x6FFFF;
	_ =	strace $0x90000046  }
0xb3: {  	s29 =	simm.s32 $0x9;
	_ =	strace $0x80000048  }
0xb4: {  	_ =	swait.ge [sflag:s29], $0x1  }
0xb5: {  	[sflag:s29] =	ssyncadd.s32 $0xFFFFFFFF  }
0xb6: {  	_ =	strace $0x90000048  }
0xb7: {  	_ =	sfence  }
0xb8: {  	s30 =	sld [smem:$0x0];
	_ =	sdelay $0x2  }
0xb9: {  	s31 =	sshll.u32 s1, $0xD;
	s1 =	sshrl.u32 s1, $0x2  }
0xba: {  	s3 =	sand.u32 $0x4000, s31;
	s1 =	sadd.s32 s1, s30  }
0xbb: {  	s0 =	sor.u32 s3, s0;
	s1 =	sshll.u32 s1, $0x11  }
0xbc: {  	s0 =	sor.u32 s1, s0  }
0xbd: {  	s0 =	sadd.s32 $0x8F2B, s0  }
0xbe: {  	[sflag:s0] =	ssyncadd.remote.s32 $0x1  }
0xbf: {  	_ =	sfence.sel $0xFFFF  }
0xc0: {  	[dreg:$0x0] =	wrdreg $0xFFFFFFFF;
	(pc) =	sbr.abs _section_cstart, $3  }
0xc1: {  	[dreg:$0x1] =	wrdreg $0xFFFFFFFF  }
0xc2: {  	_ =	task.clear_ibuf [dreg:s7], $0x2FFFF;
	_ =	strace $0x9FFFFFFF  }
0xc3: {  	(tm) =	ssettm $0x7FFFFFFF  }
tec
execute0_lowered:
.L_overlay_start_1:
0x0: {  	(tag) =	ssettag $0x1  }
0x1: {  	s4 =	rddreg [dreg:$0x0]  }
0x2: {  	s1 =	rddreg [dreg:$0x1]  }
0x3: {  	s0 =	srdreg.scid;
	s2 =	rddreg [dreg:$0x2]  }
0x4: {  	s12 =	stileid.u32;
	s3 =	simm.s32 $0x0;
	s11 =	simm.f32 $1.000000000e+00  }
0x5: {  	s10 =	simm.s32 $0xC90;
	s13 =	simm.s32 $0x6180;
	s14 =	simm.s32 $0x5D80  }
0x6: {  	s15 =	simm.s32 $0x0;
	s6 =	sand.u32 $0x1, s0;
	s0 =	rddreg [dreg:$0x3]  }
0x7: {  	[smem:$0x7FF] =	sst s3;
	s9 =	sshll.u32 s12, $0xA;
	s5 =	sshll.u32 s6, $0x4  }
0x8: {  	_ =	strace $0x80000047;
	s7 =	sshll.u32 s6, $0x7;
	s8 =	ssub.s32 $0x2, s6  }
0x9: {  	p0 =	seq.s32 s6, $0x0;
	s6 =	sadd.s32 s9, s2;
	s9 =	simm.s32 $0x1  }
.Ltmp0:
0xa: {  	s5 =	sor.u32 s12, s5;
	s7 =	sadd.s32 s7, s4;
	(pc) =	sbr.rel .LBB2_1-.Ltmp0, $4  }
0xb: {  	s31 =	sshrl.u32 s8, $0x1;
	s11 =	simm.s32 @!p0 $0x0;
	s5 =	smul.u32 $0x190, s5  }
0xc: {  	p0 =	sne.s32 s12, $0x0;
	s12 =	simm.s32 $0x1D80;
	s8 =	ssub.s32 s8, s31  }
0xd: {  	s7 =	sadd.s32 $0x7000, s7;
	v0 =	vmov s11;
	s11 =	simm.s32 $0x1980;
	s5 =	sadd.s32 s5, s4  }
0xe: {  	v2 =	vimm.f32 $0.0e+00;
	vm0 =	vcmask $0x3F3C;
	s8 =	smax.u32 s8, $0x1;
	[tilespmem:$0x1FFF0] =	vst v0;
	v0 =	vimm.s32 $0x0;
	s4 =	sadd.s32 $0x3E00, s5;
	s5 =	sadd.s32 $0xC00, s5  }
.LBB2_6:
0xf: {  	v0 =	vld [tilespmem:s18+$0x21F0];
	v13 =	vadd.f32 v13, v3;
	v10 =	vadd.f32 v12, v10  }
0x10: {  	v1 =	vld [tilespmem:s18+$0x1D80];
	[tilespmem:s16+$0x5D80] =	vst v15;
	v52 =	vadd.f32 v14, v3;
	v7 =	vadd.f32 v11, v7  }
0x11: {  	v6 =	vadd.f32 v9, v6;
	v15 =	vld [tilespmem:s18+$0x25F0];
	[tilespmem:s16+$0x5D90] =	vst v13;
	v10 =	vadd.f32 v10, v3  }
0x12: {  	v4 =	vadd.f32 v8, v4;
	v7 =	vadd.f32 v7, v3;
	v13 =	vld [tilespmem:s18+$0x2180];
	[tilespmem:s16+$0x5DA0] =	vst v52  }
0x13: {  	v6 =	vadd.f32 v6, v3;
	v53 =	vld [tilespmem:s18+$0x29F0];
	[tilespmem:s16+$0x5DB0] =	vst v10  }
0x14: {  	v4 =	vadd.f32 v4, v3;
	v9 =	vld [tilespmem:s18+$0x1D90];
	[tilespmem:s16+$0x5DC0] =	vst v7  }
0x15: {  	v7 =	vld [tilespmem:s18+$0x2DF0];
	[tilespmem:s16+$0x5DD0] =	vst v6  }
0x16: {  	v0 =	vadd.f32 v0, v5;
	v5 =	vld [tilespmem:s18+$0x2190];
	[tilespmem:s16+$0x5DE0] =	vst v4  }
0x17: {  	v4 =	vld [tilespmem:s18+$0x31F0]  }
0x18: {  	v6 =	vld [tilespmem:s18+$0x1DA0]  }
0x19: {  	v54 =	vld [tilespmem:s18+$0x35F0]  }
0x1a: {  	v10 =	vld [tilespmem:s18+$0x21A0]  }
0x1b: {  	v55 =	vld [tilespmem:s18+$0x39F0]  }
0x1c: {  	v11 =	vld [tilespmem:s18+$0x1DB0]  }
0x1d: {  	v56 =	vld [tilespmem:s18+$0x3DF0]  }
0x1e: {  	v12 =	vld [tilespmem:s18+$0x21B0]  }
0x1f: {  	v57 =	vld [tilespmem:s18+$0x41F0]  }
0x20: {  	v14 =	vld [tilespmem:s18+$0x1DC0]  }
0x21: {  	v58 =	vld [tilespmem:s18+$0x45F0]  }
0x22: {  	v0 =	vadd.f32 v15, v0;
	v15 =	vld [tilespmem:s18+$0x21C0]  }
0x23: {  	v59 =	vld [tilespmem:s18+$0x49F0]  }
0x24: {  	v16 =	vld [tilespmem:s18+$0x1DD0]  }
0x25: {  	v60 =	vld [tilespmem:s18+$0x4DF0]  }
0x26: {  	v17 =	vld [tilespmem:s18+$0x21D0]  }
0x27: {  	v61 =	vld [tilespmem:s18+$0x51F0]  }
0x28: {  	v18 =	vld [tilespmem:s18+$0x1DE0]  }
0x29: {  	v62 =	vld [tilespmem:s18+$0x55F0]  }
0x2a: {  	v19 =	vld [tilespmem:s18+$0x21E0]  }
0x2b: {  	v63 =	vld [tilespmem:s18+$0x59F0]  }
0x2c: {  	v20 =	vld [tilespmem:s18+$0x2580]  }
0x2d: {  	v21 =	vld [tilespmem:s18+$0x25A0]  }
0x2e: {  	v22 =	vld [tilespmem:s18+$0x25C0]  }
0x2f: {  	v8 =	vld [tilespmem:s18+$0x25D0]  }
0x30: {  	v23 =	vld [tilespmem:s18+$0x25E0]  }
0x31: {  	v24 =	vld [tilespmem:s18+$0x2980]  }
0x32: {  	v25 =	vld [tilespmem:s18+$0x2990]  }
0x33: {  	v26 =	vld [tilespmem:s18+$0x29B0]  }
0x34: {  	v27 =	vld [tilespmem:s18+$0x29C0]  }
0x35: {  	v28 =	vld [tilespmem:s18+$0x29D0]  }
0x36: {  	v29 =	vld [tilespmem:s18+$0x29E0]  }
0x37: {  	v30 =	vld [tilespmem:s18+$0x2D80]  }
0x38: {  	v31 =	vld [tilespmem:s18+$0x2D90]  }
0x39: {  	v32 =	vld [tilespmem:s18+$0x2DA0]  }
0x3a: {  	v33 =	vld [tilespmem:s18+$0x2DB0]  }
0x3b: {  	v34 =	vld [tilespmem:s18+$0x2DC0]  }
0x3c: {  	v35 =	vld [tilespmem:s18+$0x2DD0]  }
0x3d: {  	v36 =	vld [tilespmem:s18+$0x2DE0]  }
0x3e: {  	v37 =	vld [tilespmem:s18+$0x3180]  }
0x3f: {  	v38 =	vld [tilespmem:s18+$0x3190]  }
0x40: {  	v39 =	vld [tilespmem:s18+$0x31A0]  }
0x41: {  	v40 =	vld [tilespmem:s18+$0x31B0]  }
0x42: {  	v41 =	vld [tilespmem:s18+$0x31C0]  }
0x43: {  	v42 =	vld [tilespmem:s18+$0x31D0]  }
0x44: {  	v43 =	vld [tilespmem:s18+$0x31E0]  }
0x45: {  	v44 =	vld [tilespmem:s18+$0x3580]  }
0x46: {  	v45 =	vld [tilespmem:s18+$0x3590]  }
0x47: {  	v46 =	vld [tilespmem:s18+$0x35A0]  }
0x48: {  	v47 =	vld [tilespmem:s18+$0x35B0]  }
0x49: {  	v48 =	vld [tilespmem:s18+$0x35C0]  }
0x4a: {  	v49 =	vld [tilespmem:s18+$0x35D0]  }
0x4b: {  	v50 =	vld [tilespmem:s18+$0x35E0]  }
0x4c: {  	v51 =	vld [tilespmem:s18+$0x3980]  }
0x4d: {  	v52 =	vld [tilespmem:s18+$0x3990];
	v0 =	vadd.f32 v53, v0  }
0x4e: {  	v53 =	vld [tilespmem:s18+$0x39A0]  }
0x4f: {  	v0 =	vadd.f32 v7, v0;
	v7 =	vld [tilespmem:s18+$0x2590]  }
0x50: {  	v5 =	vadd.f32 v5, v9;
	v9 =	vld [tilespmem:s18+$0x3DE0]  }
0x51: {  	v0 =	vadd.f32 v4, v0;
	v4 =	vld [tilespmem:s18+$0x25B0]  }
0x52: {  	v6 =	vadd.f32 v10, v6;
	v10 =	vadd.f32 v12, v11;
	v11 =	vld [tilespmem:s18+$0x4180]  }
0x53: {  	v12 =	vadd.f32 v15, v14;
	v14 =	vld [tilespmem:s18+$0x4190]  }
0x54: {  	v1 =	vadd.f32 v13, v1;
	v13 =	vadd.f32 v17, v16;
	v16 =	vld [tilespmem:s18+$0x41A0]  }
0x55: {  	v17 =	vld [tilespmem:s18+$0x41E0]  }
0x56: {  	v15 =	vadd.f32 v19, v18;
	v18 =	vld [tilespmem:s18+$0x4590]  }
0x57: {  	v19 =	vld [tilespmem:s18+$0x45A0]  }
0x58: {  	v1 =	vadd.f32 v20, v1;
	v20 =	vld [tilespmem:s18+$0x45B0]  }
0x59: {  	v0 =	vadd.f32 v54, v0;
	v54 =	vld [tilespmem:s18+$0x39B0]  }
0x5a: {  	v22 =	vadd.f32 v22, v12;
	v12 =	vld [tilespmem:s18+$0x41C0]  }
0x5b: {  	v23 =	vadd.f32 v23, v15;
	v15 =	vld [tilespmem:s18+$0x41D0]  }
0x5c: {  	v6 =	vadd.f32 v21, v6;
	v8 =	vadd.f32 v8, v13;
	v21 =	vld [tilespmem:s18+$0x45C0]  }
0x5d: {  	v1 =	vadd.f32 v24, v1;
	v24 =	vld [tilespmem:s18+$0x4980];
	v0 =	vadd.f32 v55, v0  }
0x5e: {  	v5 =	vadd.f32 v7, v5;
	v7 =	vld [tilespmem:s18+$0x41B0];
	v8 =	vadd.f32 v28, v8  }
0x5f: {  	v55 =	vld [tilespmem:s18+$0x39C0];
	v13 =	vadd.f32 v29, v23;
	v0 =	vadd.f32 v56, v0  }
0x60: {  	v1 =	vadd.f32 v30, v1;
	v23 =	vld [tilespmem:s18+$0x45E0];
	v4 =	vadd.f32 v4, v10  }
0x61: {  	v28 =	vld [tilespmem:s18+$0x49C0];
	v5 =	vadd.f32 v25, v5;
	v0 =	vadd.f32 v57, v0  }
0x62: {  	v10 =	vadd.f32 v27, v22;
	v22 =	vld [tilespmem:s18+$0x45D0];
	v8 =	vadd.f32 v35, v8  }
0x63: {  	v25 =	vld [tilespmem:s18+$0x4990];
	v13 =	vadd.f32 v36, v13;
	v0 =	vadd.f32 v58, v0  }
0x64: {  	v27 =	vld [tilespmem:s18+$0x49B0];
	v1 =	vadd.f32 v37, v1;
	v4 =	vadd.f32 v26, v4  }
0x65: {  	v56 =	vld [tilespmem:s18+$0x39D0];
	v5 =	vadd.f32 v31, v5;
	v0 =	vadd.f32 v59, v0  }
0x66: {  	v36 =	vld [tilespmem:s18+$0x4DA0];
	v10 =	vadd.f32 v34, v10;
	v8 =	vadd.f32 v42, v8  }
0x67: {  	v37 =	vld [tilespmem:s18+$0x4DB0];
	v13 =	vadd.f32 v43, v13;
	v0 =	vadd.f32 v60, v0  }
0x68: {  	v26 =	vld [tilespmem:s18+$0x49A0];
	v1 =	vadd.f32 v44, v1;
	v4 =	vadd.f32 v33, v4  }
0x69: {  	v57 =	vld [tilespmem:s18+$0x39E0];
	v5 =	vadd.f32 v38, v5;
	v0 =	vadd.f32 v61, v0  }
0x6a: {  	v42 =	vld [tilespmem:s18+$0x5190];
	v10 =	vadd.f32 v41, v10;
	v8 =	vadd.f32 v49, v8  }
0x6b: {  	v43 =	vld [tilespmem:s18+$0x51A0];
	v13 =	vadd.f32 v50, v13;
	v0 =	vadd.f32 v62, v0  }
0x6c: {  	v58 =	vld [tilespmem:s18+$0x3D80];
	v1 =	vadd.f32 v51, v1;
	v5 =	vadd.f32 v45, v5  }
0x6d: {  	v4 =	vadd.f32 v40, v4;
	v59 =	vld [tilespmem:s18+$0x3D90];
	v0 =	vadd.f32 v63, v0  }
0x6e: {  	v44 =	vld [tilespmem:s18+$0x51B0];
	v10 =	vadd.f32 v48, v10;
	v5 =	vadd.f32 v52, v5  }
0x6f: {  	v52 =	vld [tilespmem:s18+$0x49E0];
	v13 =	vadd.f32 v57, v13;
	v0 =	vadd.f32 v0, v3  }
0x70: {  	v8 =	vadd.f32 v56, v8;
	v4 =	vadd.f32 v47, v4;
	v61 =	vld [tilespmem:s18+$0x3DB0]  }
0x71: {  	v10 =	vadd.f32 v55, v10;
	v9 =	vadd.f32 v9, v13;
	[tilespmem:s18+$0x5DF0] =	vst v0;
	v0 =	vld [tilespmem:s18+$0x29A0]  }
0x72: {  	v1 =	vadd.f32 v58, v1;
	v5 =	vadd.f32 v59, v5;
	v62 =	vld [tilespmem:s18+$0x3DC0]  }
0x73: {  	v38 =	vld [tilespmem:s18+$0x4DC0];
	v4 =	vadd.f32 v54, v4;
	v9 =	vadd.f32 v17, v9  }
0x74: {  	v40 =	vld [tilespmem:s18+$0x4DE0];
	v1 =	vadd.f32 v11, v1;
	v5 =	vadd.f32 v14, v5  }
0x75: {  	v9 =	vadd.f32 v23, v9;
	v63 =	vld [tilespmem:s18+$0x3DD0];
	v4 =	vadd.f32 v61, v4  }
0x76: {  	v41 =	vld [tilespmem:s18+$0x5180];
	v5 =	vadd.f32 v18, v5;
	v0 =	vadd.f32 v0, v6  }
0x77: {  	v56 =	vld [tilespmem:s18+$0x4D90];
	v9 =	vadd.f32 v52, v9;
	v10 =	vadd.f32 v62, v10  }
0x78: {  	v47 =	vld [tilespmem:s18+$0x51E0];
	v4 =	vadd.f32 v7, v4;
	v0 =	vadd.f32 v32, v0  }
0x79: {  	v50 =	vld [tilespmem:s18+$0x49D0];
	v5 =	vadd.f32 v25, v5;
	v9 =	vadd.f32 v40, v9  }
0x7a: {  	v49 =	vld [tilespmem:s18+$0x5590];
	v8 =	vadd.f32 v63, v8;
	v0 =	vadd.f32 v39, v0  }
0x7b: {  	v60 =	vld [tilespmem:s18+$0x3DA0];
	v10 =	vadd.f32 v12, v10;
	v4 =	vadd.f32 v20, v4  }
0x7c: {  	v51 =	vld [tilespmem:s18+$0x55B0];
	v5 =	vadd.f32 v56, v5;
	v0 =	vadd.f32 v46, v0  }
0x7d: {  	v9 =	vadd.f32 v47, v9;
	v8 =	vadd.f32 v15, v8;
	v6 =	vld [tilespmem:s18+$0x4580]  }
0x7e: {  	v45 =	vld [tilespmem:s18+$0x51C0];
	v10 =	vadd.f32 v21, v10;
	v0 =	vadd.f32 v53, v0  }
0x7f: {  	v48 =	vld [tilespmem:s18+$0x5580];
	v4 =	vadd.f32 v27, v4;
	v5 =	vadd.f32 v42, v5  }
0x80: {  	v55 =	vld [tilespmem:s18+$0x5980];
	v8 =	vadd.f32 v22, v8;
	v0 =	vadd.f32 v60, v0  }
0x81: {  	v54 =	vld [tilespmem:s18+$0x4D80];
	v10 =	vadd.f32 v28, v10;
	v4 =	vadd.f32 v37, v4  }
0x82: {  	v56 =	vld [tilespmem:s18+$0x5990];
	v1 =	vadd.f32 v6, v1;
	v0 =	vadd.f32 v16, v0  }
0x83: {  	v57 =	vld [tilespmem:s18+$0x59A0];
	v5 =	vadd.f32 v49, v5;
	v8 =	vadd.f32 v50, v8  }
0x84: {  	v58 =	vld [tilespmem:s18+$0x59B0];
	v1 =	vadd.f32 v24, v1;
	v0 =	vadd.f32 v19, v0  }
0x85: {  	v52 =	vld [tilespmem:s18+$0x55C0];
	v10 =	vadd.f32 v38, v10;
	v4 =	vadd.f32 v44, v4  }
0x86: {  	v39 =	vld [tilespmem:s18+$0x4DD0];
	v1 =	vadd.f32 v54, v1;
	v0 =	vadd.f32 v26, v0  }
0x87: {  	v50 =	vld [tilespmem:s18+$0x55A0];
	v5 =	vadd.f32 v56, v5;
	v10 =	vadd.f32 v45, v10  }
0x88: {  	v46 =	vld [tilespmem:s18+$0x51D0];
	v1 =	vadd.f32 v41, v1;
	v0 =	vadd.f32 v36, v0  }
0x89: {  	v4 =	vadd.f32 v51, v4;
	v5 =	vadd.f32 v5, v3;
	v53 =	vld [tilespmem:s18+$0x55D0]  }
0x8a: {  	v54 =	vld [tilespmem:s18+$0x55E0];
	v1 =	vadd.f32 v48, v1;
	v0 =	vadd.f32 v43, v0  }
0x8b: {  	v59 =	vld [tilespmem:s18+$0x59C0];
	v10 =	vadd.f32 v52, v10;
	v8 =	vadd.f32 v39, v8  }
0x8c: {  	v60 =	vld [tilespmem:s18+$0x59D0];
	v1 =	vadd.f32 v55, v1;
	v0 =	vadd.f32 v50, v0  }
0x8d: {  	v61 =	vld [tilespmem:s18+$0x59E0];
	v4 =	vadd.f32 v58, v4;
	v8 =	vadd.f32 v46, v8  }
0x8e: {  	v1 =	vadd.f32 v1, v3;
	v0 =	vadd.f32 v57, v0  }
0x8f: {  	v8 =	vadd.f32 v53, v8;
	v7 =	vadd.f32 v54, v9  }
0x90: {  	[tilespmem:s18+$0x5D80] =	vst v1;
	v1 =	vadd.f32 v59, v10;
	v0 =	vadd.f32 v0, v3  }
0x91: {  	[tilespmem:s18+$0x5D90] =	vst v5;
	v4 =	vadd.f32 v4, v3;
	v62 =	vadd.f32 v60, v8  }
0x92: {  	[tilespmem:s18+$0x5DA0] =	vst v0;
	v0 =	vadd.f32 v1, v3;
	v1 =	vadd.f32 v61, v7  }
0x93: {  	[tilespmem:s18+$0x5DB0] =	vst v4;
	v63 =	vadd.f32 v62, v3  }
0x94: {  	[tilespmem:s18+$0x5DC0] =	vst v0;
	v0 =	vadd.f32 v1, v3  }
0x95: {  	[tilespmem:s18+$0x5DD0] =	vst v63  }
0x96: {  	[tilespmem:s18+$0x5DE0] =	vst v0  }
0x97: {  	[hbm4b:s7+s3] =	stream.linear.scatter [tilespmem:s14], [sflag:$0x1], $0x400, $0x38;
	[tilespmem:$0x6600] =	vst v63  }
0x98: {  	_ =	swait.ge [sflag:s9], $0x400  }
0x99: {  	[sflag:s9] =	ssyncset.done $0x0  }
0x9a: {  	v0 =	vimm.s32 $0x0;
	[sflag:s9] =	ssyncadd.s32 $0xFFFFFC00  }
.LBB2_7:
0x9b: {  	s15 =	sadd.s32 $0x1, s15  }
0x9c: {  	p1 =	sne.s32 s15, s8  }
.Ltmp1:
0x9d: {  	_ = 	snop;
	(pc) =	sbr.rel @!p1 .LBB2_8-.Ltmp1, $1  }
0x9e: {  	_ =	sdelay $0x3  }
.LBB2_1:
0x9f: {  	[tilespmem:s3], [sflag:$0x1] =	stream.linear.gather [hbm4b:s4+s3], $0xC80, $0x38;
	[tilespmem:$0x6600] =	vst v63  }
0xa0: {  	_ =	swait.ge [sflag:s9], $0xC80  }
0xa1: {  	[sflag:s9] =	ssyncset.done $0x0  }
0xa2: {  	[sflag:s9] =	ssyncadd.s32 $0xFFFFF380  }
0xa3: {  	[tilespmem:s10], [sflag:$0x1] =	stream.linear.gather [hbm4b:s5+s3], $0xC80, $0x38;
	[tilespmem:$0x6600] =	vst v63  }
0xa4: {  	_ =	swait.ge [sflag:s9], $0xC80  }
0xa5: {  	[sflag:s9] =	ssyncset.done $0x0  }
0xa6: {  	[sflag:s9] =	ssyncadd.s32 $0xFFFFF380  }
0xa7: {  	[tilespmem:$0x1980] =	vst v2  }
0xa8: {  	[tilespmem:$0x1990] =	vst v2  }
0xa9: {  	[tilespmem:$0x19A0] =	vst v2  }
0xaa: {  	[tilespmem:$0x19B0] =	vst v2  }
0xab: {  	[tilespmem:$0x19C0] =	vst v2  }
0xac: {  	[tilespmem:$0x19D0] =	vst v2  }
0xad: {  	[tilespmem:$0x19E0] =	vst v2  }
0xae: {  	[tilespmem:$0x19F0] =	vst v2  }
0xaf: {  	[tilespmem:$0x1A00] =	vst v2  }
0xb0: {  	[tilespmem:$0x1A10] =	vst v2  }
0xb1: {  	[tilespmem:$0x1A20] =	vst v2  }
0xb2: {  	[tilespmem:$0x1A30] =	vst v2  }
0xb3: {  	[tilespmem:$0x1A40] =	vst v2  }
0xb4: {  	[tilespmem:$0x1A50] =	vst v2  }
0xb5: {  	[tilespmem:$0x1A60] =	vst v2  }
0xb6: {  	[tilespmem:$0x1A70] =	vst v2  }
0xb7: {  	[tilespmem:$0x1A80] =	vst v2  }
0xb8: {  	[tilespmem:$0x1A90] =	vst v2  }
0xb9: {  	[tilespmem:$0x1AA0] =	vst v2  }
0xba: {  	[tilespmem:$0x1AB0] =	vst v2  }
0xbb: {  	[tilespmem:$0x1AC0] =	vst v2  }
0xbc: {  	[tilespmem:$0x1AD0] =	vst v2  }
0xbd: {  	[tilespmem:$0x1AE0] =	vst v2  }
0xbe: {  	[tilespmem:$0x1AF0] =	vst v2  }
0xbf: {  	[tilespmem:$0x1B00] =	vst v2  }
0xc0: {  	[tilespmem:$0x1B10] =	vst v2  }
0xc1: {  	[tilespmem:$0x1B20] =	vst v2  }
0xc2: {  	[tilespmem:$0x1B30] =	vst v2  }
0xc3: {  	[tilespmem:$0x1B40] =	vst v2  }
0xc4: {  	[tilespmem:$0x1B50] =	vst v2  }
0xc5: {  	[tilespmem:$0x1B60] =	vst v2  }
0xc6: {  	[tilespmem:$0x1B70] =	vst v2  }
0xc7: {  	[tilespmem:$0x1B80] =	vst v2  }
0xc8: {  	[tilespmem:$0x1B90] =	vst v2  }
0xc9: {  	[tilespmem:$0x1BA0] =	vst v2  }
0xca: {  	[tilespmem:$0x1BB0] =	vst v2  }
0xcb: {  	[tilespmem:$0x1BC0] =	vst v2  }
0xcc: {  	[tilespmem:$0x1BD0] =	vst v2  }
0xcd: {  	[tilespmem:$0x1BE0] =	vst v2  }
0xce: {  	[tilespmem:$0x1BF0] =	vst v2  }
0xcf: {  	[tilespmem:$0x1C00] =	vst v2  }
0xd0: {  	[tilespmem:$0x1C10] =	vst v2  }
0xd1: {  	[tilespmem:$0x1C20] =	vst v2  }
0xd2: {  	[tilespmem:$0x1C30] =	vst v2  }
0xd3: {  	[tilespmem:$0x1C40] =	vst v2  }
0xd4: {  	[tilespmem:$0x1C50] =	vst v2  }
0xd5: {  	[tilespmem:$0x1C60] =	vst v2  }
0xd6: {  	[tilespmem:$0x1C70] =	vst v2  }
0xd7: {  	[tilespmem:$0x1C80] =	vst v2  }
0xd8: {  	[tilespmem:$0x1C90] =	vst v2  }
0xd9: {  	[tilespmem:$0x1CA0] =	vst v2  }
0xda: {  	[tilespmem:$0x1CB0] =	vst v2  }
0xdb: {  	[tilespmem:$0x1CC0] =	vst v2  }
0xdc: {  	[tilespmem:$0x1CD0] =	vst v2  }
0xdd: {  	[tilespmem:$0x1CE0] =	vst v2  }
0xde: {  	[tilespmem:$0x1CF0] =	vst v2  }
0xdf: {  	[tilespmem:$0x1D00] =	vst v2  }
0xe0: {  	v3 =	vld [tilespmem:$0xC90];
	[tilespmem:$0x1D10] =	vst v2  }
0xe1: {  	[tilespmem:$0x1D20] =	vst v2  }
0xe2: {  	[tilespmem:$0x1D30] =	vst v2  }
0xe3: {  	[tilespmem:$0x1D40] =	vst v2  }
0xe4: {  	[tilespmem:$0x1D50] =	vst v2  }
0xe5: {  	[tilespmem:$0x1D60] =	vst v2;
	v3 =	vperm.xlane v3, v0  }
0xe6: {  	[tilespmem:$0x1D70] =	vst v2  }
0xe7: {  	s16 =	simm.s32 $0x0;
	[tilespmem:$0xC80] =	vst v3  }
0xe8: {  	v3 =	vld [tilespmem:s16+$0x0];
	_ =	sdelay $0x4  }
0xe9: {  	(xrf2) =	vadd.scan.msk.f32 $0xffff, v3  }
0xea: {  	v4 =	vld [tilespmem:s16+$0xC91]  }
0xeb: {  	v5 =	vld [tilespmem:s16+$0xC90];
	_ =	sdelay $0x1  }
0xec: {  	v6 =	vld [tilespmem:s16+$0xC8F];
	_ =	sdelay $0x2  }
0xed: {  	vm1 =	vne.s32 v5, v4  }
0xee: {  	vm1 =	vmor vm1, vm0  }
0xef: {  	vm2 =	vne.s32 v5, v6  }
0xf0: {  	v4, _, _ =	vpop (xrf2)  }
0xf1: {  	v3 =	vsub.f32 v3, v4;
	_ =	sdelay $0x1  }
0xf2: {  	v3 =	vadd.f32 $0.0e+00, v3  }
0xf3: {  	[tilespmem:v5+s11+$0x0] =	vst.idx.add.f32.msk vm1, v4  }
0xf4: {  	[tilespmem:v5+s11+$0x0] =	vst.idx.add.f32.msk vm2, v3  }
0xf5: {  	v4 =	vld [tilespmem:s16+$0x10];
	_ =	sdelay $0x2  }
0xf6: {  	v5 =	vld [tilespmem:s16+$0xCA1]  }
0xf7: {  	v3 =	vld [tilespmem:s16+$0xCA0]  }
0xf8: {  	(xrf2) =	vadd.scan.msk.f32 $0xffff, v4;
	_ =	sdelay $0x3  }
0xf9: {  	vm1 =	vne.s32 v3, v5;
	v5 =	vld [tilespmem:s16+$0xC9F];
	_ =	sdelay $0x2  }
0xfa: {  	vm2 =	vmor vm1, vm0;
	_ =	sdelay $0x1  }
0xfb: {  	vm1 =	vne.s32 v3, v5  }
0xfc: {  	v6, _, _ =	vpop (xrf2)  }
0xfd: {  	v4 =	vsub.f32 v4, v6;
	_ =	sdelay $0x1  }
0xfe: {  	s17 =	simm.s32 $0x100;
	s16 =	simm.s32 $0x80;
	[tilespmem:v3+s11+$0x0] =	vst.idx.add.f32.msk vm2, v6;
	v4 =	vadd.f32 $0.0e+00, v4  }
.LBB2_2:
0xff: {  	p1 =	sne.s32 s17, $0x3180  }
0x100: {  	s18 =	sshra.s32 s16, $0x2;
	s16 =	smov.u32 s17;
	s17 =	sadd.s32 $0x80, s17;
	[tilespmem:v3+s11+$0x0] =	vst.idx.add.f32.msk vm1, v4  }
0x101: {  	v3 =	vld [tilespmem:s18+$0x0];
	_ =	sdelay $0x4  }
0x102: {  	(xrf2) =	vadd.scan.msk.f32 $0xffff, v3  }
0x103: {  	v4 =	vld [tilespmem:s18+$0xC91]  }
0x104: {  	v5 =	vld [tilespmem:s18+$0xC90];
	_ =	sdelay $0x1  }
0x105: {  	v6 =	vld [tilespmem:s18+$0xC8F];
	_ =	sdelay $0x2  }
0x106: {  	vm1 =	vne.s32 v5, v4  }
0x107: {  	vm1 =	vmor vm1, vm0  }
0x108: {  	vm2 =	vne.s32 v5, v6  }
0x109: {  	v4, _, _ =	vpop (xrf2)  }
0x10a: {  	v3 =	vsub.f32 v3, v4;
	_ =	sdelay $0x1  }
0x10b: {  	v3 =	vadd.f32 $0.0e+00, v3  }
0x10c: {  	[tilespmem:v5+s11+$0x0] =	vst.idx.add.f32.msk vm1, v4  }
0x10d: {  	[tilespmem:v5+s11+$0x0] =	vst.idx.add.f32.msk vm2, v3  }
0x10e: {  	v4 =	vld [tilespmem:s18+$0x10];
	_ =	sdelay $0x2  }
0x10f: {  	v5 =	vld [tilespmem:s18+$0xCA1]  }
0x110: {  	v3 =	vld [tilespmem:s18+$0xCA0]  }
0x111: {  	(xrf2) =	vadd.scan.msk.f32 $0xffff, v4;
	_ =	sdelay $0x3  }
0x112: {  	v6 =	vld [tilespmem:s18+$0xC9F];
	vm1 =	vne.s32 v3, v5  }
0x113: {  	vm2 =	vmor vm1, vm0;
	_ =	sdelay $0x3  }
.Ltmp2:
0x114: {  	vm1 =	vne.s32 v3, v6;
	(pc) =	sbr.rel @p1 .LBB2_2-.Ltmp2, $3  }
0x115: {  	v5, _, _ =	vpop (xrf2)  }
0x116: {  	[tilespmem:v3+s11+$0x0] =	vst.idx.add.f32.msk vm2, v5;
	v4 =	vsub.f32 v4, v5;
	_ =	sdelay $0x1  }
0x117: {  	v4 =	vadd.f32 $0.0e+00, v4  }
0x118: {  	_ =	sdelay $0x4  }
0x119: {  	s16 =	sshra.s32 s16, $0x2;
	[tilespmem:v3+s11+$0x0] =	vst.idx.add.f32.msk vm1, v4  }
0x11a: {  	v3 =	vld [tilespmem:s16+$0x0];
	_ =	sdelay $0x4  }
0x11b: {  	(xrf2) =	vadd.scan.msk.f32 $0xffff, v3  }
0x11c: {  	v4 =	vld [tilespmem:s16+$0xC91]  }
0x11d: {  	v5 =	vld [tilespmem:s16+$0xC90];
	_ =	sdelay $0x1  }
0x11e: {  	v6 =	vld [tilespmem:s16+$0xC8F];
	_ =	sdelay $0x2  }
0x11f: {  	vm1 =	vne.s32 v5, v4  }
0x120: {  	vm1 =	vmor vm1, vm0  }
0x121: {  	vm2 =	vne.s32 v5, v6  }
0x122: {  	v61, _, _ =	vpop (xrf2)  }
0x123: {  	v3 =	vsub.f32 v3, v61;
	_ =	sdelay $0x1  }
0x124: {  	v3 =	vadd.f32 $0.0e+00, v3  }
0x125: {  	[tilespmem:v5+s11+$0x0] =	vst.idx.add.f32.msk vm1, v61  }
0x126: {  	[tilespmem:v5+s11+$0x0] =	vst.idx.add.f32.msk vm2, v3  }
0x127: {  	v3 =	vld [tilespmem:s16+$0x10];
	_ =	sdelay $0x4  }
0x128: {  	(xrf2) =	vadd.scan.msk.f32 $0xffff, v3  }
0x129: {  	v4 =	vld [tilespmem:s16+$0xCA1]  }
0x12a: {  	v5 =	vld [tilespmem:s16+$0xCA0];
	_ =	sdelay $0x1  }
0x12b: {  	v62 =	vld [tilespmem:s16+$0xC9F];
	_ =	sdelay $0x2  }
0x12c: {  	vm1 =	vne.s32 v5, v4  }
0x12d: {  	vm1 =	vmor vm1, vm0  }
0x12e: {  	vm2 =	vne.s32 v5, v62  }
0x12f: {  	v63, _, _ =	vpop (xrf2)  }
0x130: {  	v3 =	vsub.f32 v3, v63;
	_ =	sdelay $0x1  }
0x131: {  	v3 =	vadd.f32 $0.0e+00, v3  }
0x132: {  	[tilespmem:v5+s11+$0x0] =	vst.idx.add.f32.msk vm1, v63  }
0x133: {  	[tilespmem:v5+s11+$0x0] =	vst.idx.add.f32.msk vm2, v3  }
0x134: {  	[spmem:s6] =	stream.linear.scatter [tilespmem:s11], [sflag:$0x1], $0x400, $0x38;
	[tilespmem:$0x6600] =	vst v63  }
.Ltmp3:
0x135: {  	_ =	swait.ge [sflag:s9], $0x400;
	(pc) =	sbr.rel @p0 .LBB2_7-.Ltmp3, $3  }
0x136: {  	[sflag:s9] =	ssyncset.done $0x0  }
0x137: {  	[sflag:s9] =	ssyncadd.s32 $0xFFFFFC00  }
0x138: {  	[bflag:$0x0] =	sbarrier.arrive $0xFFFF;
	_ =	sdelay $0x1  }
0x139: {  	[tilespmem:s12], [sflag:$0x1] =	stream.linear.gather [spmem:s2], $0x4000, $0x38;
	[tilespmem:$0x6600] =	vst v63  }
0x13a: {  	_ =	swait.ge [sflag:s9], $0x4000  }
0x13b: {  	[sflag:s9] =	ssyncset.done $0x0  }
0x13c: {  	s16 =	simm.s32 $0x0;
	[sflag:s9] =	ssyncadd.s32 $0xFFFFC000  }
0x13d: {  	[tilespmem:s13], [sflag:$0x1] =	stream.linear.gather [hbm4b:s1+s16], $0x80, $0x38;
	[tilespmem:$0x6600] =	vst v63  }
0x13e: {  	_ =	swait.ge [sflag:s9], $0x80  }
0x13f: {  	[sflag:s9] =	ssyncset.done $0x0  }
0x140: {  	v0 =	vld [tilespmem:$0x1FFF0];
	[sflag:s9] =	ssyncadd.s32 $0xFFFFFF80  }
0x141: {  	s16 =	simm.s32 $0x0;
	v3 =	vld [tilespmem:$0x6180]  }
0x142: {  	v4 =	vld [tilespmem:s16+$0x1DF0]  }
0x143: {  	v5 =	vld [tilespmem:s16+$0x21F0]  }
0x144: {  	v6 =	vld [tilespmem:s16+$0x1D80]  }
0x145: {  	v7 =	vld [tilespmem:s16+$0x25F0]  }
0x146: {  	v8 =	vld [tilespmem:s16+$0x2180]  }
0x147: {  	v9 =	vld [tilespmem:s16+$0x29F0]  }
0x148: {  	v10 =	vld [tilespmem:s16+$0x1D90]  }
0x149: {  	v11 =	vld [tilespmem:s16+$0x2190]  }
0x14a: {  	v12 =	vld [tilespmem:s16+$0x1DA0]  }
0x14b: {  	v13 =	vld [tilespmem:s16+$0x21A0]  }
0x14c: {  	v14 =	vld [tilespmem:s16+$0x1DB0]  }
0x14d: {  	v15 =	vld [tilespmem:s16+$0x21B0]  }
0x14e: {  	v16 =	vld [tilespmem:s16+$0x1DC0]  }
0x14f: {  	v17 =	vld [tilespmem:s16+$0x21C0]  }
0x150: {  	v18 =	vld [tilespmem:s16+$0x1DD0]  }
0x151: {  	v19 =	vld [tilespmem:s16+$0x21D0]  }
0x152: {  	v20 =	vld [tilespmem:s16+$0x1DE0]  }
0x153: {  	v21 =	vld [tilespmem:s16+$0x21E0]  }
0x154: {  	v22 =	vld [tilespmem:s16+$0x2580]  }
0x155: {  	v23 =	vld [tilespmem:s16+$0x25A0]  }
0x156: {  	v24 =	vld [tilespmem:s16+$0x25C0]  }
0x157: {  	v25 =	vld [tilespmem:s16+$0x25E0]  }
0x158: {  	v26 =	vld [tilespmem:s16+$0x2980]  }
0x159: {  	v27 =	vld [tilespmem:s16+$0x2990]  }
0x15a: {  	v28 =	vld [tilespmem:s16+$0x29B0]  }
0x15b: {  	v29 =	vld [tilespmem:s16+$0x29C0]  }
0x15c: {  	v30 =	vld [tilespmem:s16+$0x29D0]  }
0x15d: {  	v31 =	vld [tilespmem:s16+$0x29E0]  }
0x15e: {  	v32 =	vld [tilespmem:s16+$0x2D80]  }
0x15f: {  	v33 =	vld [tilespmem:s16+$0x2D90]  }
0x160: {  	v34 =	vld [tilespmem:s16+$0x2DA0]  }
0x161: {  	v35 =	vld [tilespmem:s16+$0x2DB0]  }
0x162: {  	v36 =	vld [tilespmem:s16+$0x2DC0]  }
0x163: {  	v37 =	vld [tilespmem:s16+$0x2DD0]  }
0x164: {  	v38 =	vld [tilespmem:s16+$0x2DE0]  }
0x165: {  	v39 =	vld [tilespmem:s16+$0x3180]  }
0x166: {  	v40 =	vld [tilespmem:s16+$0x3190]  }
0x167: {  	v41 =	vld [tilespmem:s16+$0x31A0]  }
0x168: {  	v42 =	vld [tilespmem:s16+$0x31B0]  }
0x169: {  	v43 =	vld [tilespmem:s16+$0x31C0]  }
0x16a: {  	v44 =	vld [tilespmem:s16+$0x31D0]  }
0x16b: {  	v45 =	vld [tilespmem:s16+$0x31E0]  }
0x16c: {  	v46 =	vld [tilespmem:s16+$0x3580]  }
0x16d: {  	v47 =	vld [tilespmem:s16+$0x3590]  }
0x16e: {  	v48 =	vld [tilespmem:s16+$0x35A0]  }
0x16f: {  	v49 =	vld [tilespmem:s16+$0x35B0]  }
0x170: {  	v50 =	vld [tilespmem:s16+$0x35C0]  }
0x171: {  	v51 =	vld [tilespmem:s16+$0x35D0]  }
0x172: {  	v52 =	vld [tilespmem:s16+$0x35E0]  }
0x173: {  	v53 =	vld [tilespmem:s16+$0x3980]  }
0x174: {  	v54 =	vld [tilespmem:s16+$0x3990]  }
0x175: {  	v55 =	vld [tilespmem:s16+$0x39A0]  }
0x176: {  	v56 =	vld [tilespmem:s16+$0x39B0]  }
0x177: {  	v57 =	vld [tilespmem:s16+$0x39C0]  }
0x178: {  	v58 =	vld [tilespmem:s16+$0x39D0]  }
0x179: {  	v59 =	vld [tilespmem:s16+$0x39E0];
	v4 =	vadd.f32 v5, v4  }
0x17a: {  	v5 =	vld [tilespmem:s16+$0x2DF0]  }
0x17b: {  	v60 =	vld [tilespmem:s16+$0x3D80];
	v4 =	vadd.f32 v7, v4  }
0x17c: {  	v7 =	vld [tilespmem:s16+$0x31F0]  }
0x17d: {  	v61 =	vld [tilespmem:s16+$0x3D90];
	v4 =	vadd.f32 v9, v4  }
0x17e: {  	v9 =	vld [tilespmem:s16+$0x35F0]  }
0x17f: {  	v62 =	vld [tilespmem:s16+$0x3DA0];
	v4 =	vadd.f32 v5, v4  }
0x180: {  	v5 =	vld [tilespmem:s16+$0x39F0]  }
0x181: {  	v63 =	vld [tilespmem:s16+$0x3DB0];
	v4 =	vadd.f32 v7, v4  }
0x182: {  	v7 =	vld [tilespmem:s16+$0x3DF0]  }
0x183: {  	v1 =	vld [tilespmem:s16+$0x3DD0];
	v4 =	vadd.f32 v9, v4  }
0x184: {  	v9 =	vld [tilespmem:s16+$0x41F0]  }
0x185: {  	v3 =	vmul.f32 v3, v0;
	v0 =	vld [tilespmem:s16+$0x3DC0];
	v4 =	vadd.f32 v5, v4  }
0x186: {  	v6 =	vadd.f32 v8, v6;
	v5 =	vld [tilespmem:s16+$0x45F0]  }
0x187: {  	v8 =	vadd.f32 v11, v10;
	v10 =	vld [tilespmem:s16+$0x3DE0];
	v4 =	vadd.f32 v7, v4  }
0x188: {  	v6 =	vadd.f32 v22, v6;
	v7 =	vld [tilespmem:s16+$0x49F0]  }
0x189: {  	v11 =	vadd.f32 v13, v12;
	v13 =	vld [tilespmem:s16+$0x4180];
	v4 =	vadd.f32 v9, v4  }
0x18a: {  	v12 =	vadd.f32 v15, v14;
	v6 =	vadd.f32 v26, v6;
	v9 =	vld [tilespmem:s16+$0x4DF0]  }
0x18b: {  	v14 =	vadd.f32 v17, v16;
	v16 =	vld [tilespmem:s16+$0x4190];
	v4 =	vadd.f32 v5, v4  }
0x18c: {  	v6 =	vadd.f32 v32, v6;
	v5 =	vld [tilespmem:s16+$0x51F0]  }
0x18d: {  	v15 =	vadd.f32 v19, v18;
	v18 =	vld [tilespmem:s16+$0x41A0];
	v4 =	vadd.f32 v7, v4  }
0x18e: {  	v6 =	vadd.f32 v39, v6;
	v7 =	vld [tilespmem:s16+$0x55F0]  }
0x18f: {  	v19 =	vld [tilespmem:s16+$0x41E0];
	v4 =	vadd.f32 v9, v4  }
0x190: {  	v6 =	vadd.f32 v46, v6;
	v9 =	vld [tilespmem:s16+$0x59F0]  }
0x191: {  	v17 =	vadd.f32 v21, v20;
	v20 =	vld [tilespmem:s16+$0x4590];
	v4 =	vadd.f32 v5, v4  }
0x192: {  	v6 =	vadd.f32 v53, v6;
	v5 =	vld [tilespmem:s16+$0x2590]  }
0x193: {  	v4 =	vadd.f32 v7, v4;
	v7 =	vld [tilespmem:s16+$0x25B0]  }
0x194: {  	v21 =	vld [tilespmem:s16+$0x45A0];
	v6 =	vadd.f32 v60, v6  }
0x195: {  	v4 =	vadd.f32 v9, v4;
	v9 =	vld [tilespmem:s16+$0x25D0]  }
0x196: {  	v22 =	vld [tilespmem:s16+$0x45B0];
	v6 =	vadd.f32 v13, v6  }
0x197: {  	v46 =	vld [tilespmem:s16+$0x49A0];
	v5 =	vadd.f32 v5, v8;
	v8 =	vadd.f32 v23, v11  }
0x198: {  	v53 =	vld [tilespmem:s16+$0x4D80];
	v4 =	vadd.f32 v4, v3;
	v7 =	vadd.f32 v7, v12  }
0x199: {  	v60 =	vld [tilespmem:s16+$0x55A0];
	v12 =	vadd.f32 v24, v14;
	v5 =	vadd.f32 v27, v5  }
0x19a: {  	[tilespmem:s16+$0x5DF0] =	vst v4;
	v4 =	vld [tilespmem:s16+$0x29A0];
	v9 =	vadd.f32 v9, v15;
	v15 =	vadd.f32 v25, v17  }
0x19b: {  	v13 =	vld [tilespmem:s16+$0x4DE0];
	v7 =	vadd.f32 v28, v7;
	v12 =	vadd.f32 v29, v12  }
0x19c: {  	v11 =	vld [tilespmem:s16+$0x41B0];
	v5 =	vadd.f32 v33, v5;
	v9 =	vadd.f32 v30, v9  }
0x19d: {  	v23 =	vld [tilespmem:s16+$0x45C0];
	v15 =	vadd.f32 v31, v15;
	v7 =	vadd.f32 v35, v7  }
0x19e: {  	v14 =	vld [tilespmem:s16+$0x41C0];
	v12 =	vadd.f32 v36, v12;
	v5 =	vadd.f32 v40, v5  }
0x19f: {  	v24 =	vld [tilespmem:s16+$0x45D0];
	v4 =	vadd.f32 v4, v8;
	v9 =	vadd.f32 v37, v9  }
0x1a0: {  	v17 =	vld [tilespmem:s16+$0x41D0];
	v15 =	vadd.f32 v38, v15;
	v7 =	vadd.f32 v42, v7  }
0x1a1: {  	v40 =	vld [tilespmem:s16+$0x45E0];
	v12 =	vadd.f32 v43, v12;
	v5 =	vadd.f32 v47, v5  }
0x1a2: {  	v8 =	vld [tilespmem:s16+$0x4580];
	v4 =	vadd.f32 v34, v4;
	v9 =	vadd.f32 v44, v9  }
0x1a3: {  	v42 =	vld [tilespmem:s16+$0x4980];
	v15 =	vadd.f32 v45, v15;
	v7 =	vadd.f32 v49, v7  }
0x1a4: {  	v44 =	vld [tilespmem:s16+$0x4990];
	v12 =	vadd.f32 v50, v12;
	v5 =	vadd.f32 v54, v5  }
0x1a5: {  	v50 =	vld [tilespmem:s16+$0x49C0];
	v4 =	vadd.f32 v41, v4;
	v9 =	vadd.f32 v51, v9  }
0x1a6: {  	v54 =	vld [tilespmem:s16+$0x4D90];
	v15 =	vadd.f32 v52, v15;
	v7 =	vadd.f32 v56, v7  }
0x1a7: {  	v51 =	vld [tilespmem:s16+$0x49D0];
	v12 =	vadd.f32 v57, v12;
	v5 =	vadd.f32 v61, v5  }
0x1a8: {  	v52 =	vld [tilespmem:s16+$0x49E0];
	v6 =	vadd.f32 v8, v6;
	v4 =	vadd.f32 v48, v4  }
0x1a9: {  	v56 =	vld [tilespmem:s16+$0x4DB0];
	v9 =	vadd.f32 v58, v9;
	v15 =	vadd.f32 v59, v15  }
0x1aa: {  	v57 =	vld [tilespmem:s16+$0x51E0];
	v7 =	vadd.f32 v63, v7;
	v0 =	vadd.f32 v0, v12  }
0x1ab: {  	v61 =	vld [tilespmem:s16+$0x55B0];
	v5 =	vadd.f32 v16, v5;
	v6 =	vadd.f32 v42, v6  }
0x1ac: {  	v8 =	vld [tilespmem:s16+$0x51A0];
	v4 =	vadd.f32 v55, v4;
	v1 =	vadd.f32 v1, v9  }
0x1ad: {  	v48 =	vld [tilespmem:s16+$0x49B0];
	v9 =	vadd.f32 v10, v15;
	v7 =	vadd.f32 v11, v7  }
0x1ae: {  	v12 =	vld [tilespmem:s16+$0x4DC0];
	v0 =	vadd.f32 v14, v0;
	v5 =	vadd.f32 v20, v5  }
0x1af: {  	v16 =	vld [tilespmem:s16+$0x51C0];
	v6 =	vadd.f32 v53, v6;
	v4 =	vadd.f32 v62, v4  }
0x1b0: {  	v58 =	vld [tilespmem:s16+$0x5580];
	v1 =	vadd.f32 v17, v1;
	v9 =	vadd.f32 v19, v9  }
0x1b1: {  	v11 =	vld [tilespmem:s16+$0x5180];
	v7 =	vadd.f32 v22, v7;
	v0 =	vadd.f32 v23, v0  }
0x1b2: {  	v59 =	vld [tilespmem:s16+$0x5590];
	v5 =	vadd.f32 v44, v5;
	v4 =	vadd.f32 v18, v4  }
0x1b3: {  	v55 =	vld [tilespmem:s16+$0x4DA0];
	v1 =	vadd.f32 v24, v1;
	v9 =	vadd.f32 v40, v9  }
0x1b4: {  	v14 =	vld [tilespmem:s16+$0x5190];
	v7 =	vadd.f32 v48, v7;
	v0 =	vadd.f32 v50, v0  }
0x1b5: {  	v10 =	vld [tilespmem:s16+$0x4DD0];
	v5 =	vadd.f32 v54, v5;
	v4 =	vadd.f32 v21, v4  }
0x1b6: {  	v15 =	vld [tilespmem:s16+$0x51B0];
	v6 =	vadd.f32 v11, v6;
	v1 =	vadd.f32 v51, v1  }
0x1b7: {  	v17 =	vld [tilespmem:s16+$0x51D0];
	v9 =	vadd.f32 v52, v9;
	v4 =	vadd.f32 v46, v4  }
0x1b8: {  	v62 =	vld [tilespmem:s16+$0x55C0];
	v7 =	vadd.f32 v56, v7;
	v0 =	vadd.f32 v12, v0  }
0x1b9: {  	v5 =	vadd.f32 v14, v5;
	v14 =	vld [tilespmem:s16+$0x55E0];
	v4 =	vadd.f32 v55, v4  }
0x1ba: {  	v1 =	vadd.f32 v10, v1;
	v9 =	vadd.f32 v13, v9;
	v13 =	vld [tilespmem:s16+$0x55D0]  }
0x1bb: {  	v7 =	vadd.f32 v15, v7;
	v4 =	vadd.f32 v8, v4;
	v8 =	vld [tilespmem:s16+$0x5980]  }
0x1bc: {  	v0 =	vadd.f32 v16, v0;
	v15 =	vld [tilespmem:s16+$0x5990];
	v5 =	vadd.f32 v59, v5  }
0x1bd: {  	v1 =	vadd.f32 v17, v1;
	v16 =	vadd.f32 v57, v9;
	v17 =	vld [tilespmem:s16+$0x59A0]  }
0x1be: {  	v12 =	vld [tilespmem:s16+$0x59B0];
	v9 =	vadd.f32 v58, v6;
	v10 =	vadd.f32 v61, v7  }
0x1bf: {  	v11 =	vld [tilespmem:s16+$0x59C0];
	v7 =	vadd.f32 v62, v0;
	v6 =	vadd.f32 v13, v1  }
0x1c0: {  	v63 =	vadd.f32 v60, v4;
	v0 =	vadd.f32 v8, v9;
	v9 =	vld [tilespmem:s16+$0x59D0]  }
0x1c1: {  	s18 =	simm.s32 $0x80;
	v13 =	vadd.f32 v15, v5;
	v4 =	vadd.f32 v14, v16;
	v8 =	vld [tilespmem:s16+$0x59E0]  }
0x1c2: {  	s17 =	simm.s32 $0x400;
	v5 =	vld [tilespmem:s18+$0x1DF0];
	v14 =	vadd.f32 v17, v63;
	v15 =	vadd.f32 v0, v3  }
.LBB2_5:
0x1c3: {  	p1 =	sne.s32 s17, $0xE00;
	v0 =	vld [tilespmem:s18+$0x21F0];
	v1 =	vadd.f32 v13, v3;
	v10 =	vadd.f32 v12, v10  }
0x1c4: {  	v13 =	vadd.f32 v14, v3;
	v7 =	vadd.f32 v11, v7;
	v12 =	vld [tilespmem:s18+$0x1D80];
	[tilespmem:s16+$0x5D80] =	vst v15  }
0x1c5: {  	v6 =	vadd.f32 v9, v6;
	v11 =	vld [tilespmem:s18+$0x25F0];
	[tilespmem:s16+$0x5D90] =	vst v1;
	v1 =	vadd.f32 v10, v3  }
0x1c6: {  	v4 =	vadd.f32 v8, v4;
	v7 =	vadd.f32 v7, v3;
	v9 =	vld [tilespmem:s18+$0x2180];
	[tilespmem:s16+$0x5DA0] =	vst v13  }
0x1c7: {  	v8 =	vld [tilespmem:s18+$0x29F0];
	[tilespmem:s16+$0x5DB0] =	vst v1;
	v1 =	vadd.f32 v6, v3  }
0x1c8: {  	v4 =	vadd.f32 v4, v3;
	v6 =	vld [tilespmem:s18+$0x1D90];
	v0 =	vadd.f32 v0, v5;
	[tilespmem:s16+$0x5DC0] =	vst v7  }
0x1c9: {  	v5 =	vld [tilespmem:s18+$0x2DF0];
	[tilespmem:s16+$0x5DD0] =	vst v1  }
0x1ca: {  	v1 =	vld [tilespmem:s18+$0x2190];
	v0 =	vadd.f32 v11, v0;
	[tilespmem:s16+$0x5DE0] =	vst v4;
	s16 =	smov.u32 s18  }
0x1cb: {  	v4 =	vadd.f32 v9, v12;
	v7 =	vld [tilespmem:s16+$0x31F0]  }
0x1cc: {  	v9 =	vld [tilespmem:s16+$0x1DA0];
	v0 =	vadd.f32 v8, v0  }
0x1cd: {  	v8 =	vld [tilespmem:s16+$0x35F0]  }
0x1ce: {  	v10 =	vld [tilespmem:s16+$0x21A0];
	v0 =	vadd.f32 v5, v0  }
0x1cf: {  	v1 =	vadd.f32 v1, v6;
	v5 =	vld [tilespmem:s16+$0x39F0]  }
0x1d0: {  	v6 =	vld [tilespmem:s16+$0x1DB0];
	v0 =	vadd.f32 v7, v0  }
0x1d1: {  	v7 =	vld [tilespmem:s16+$0x3DF0]  }
0x1d2: {  	v11 =	vld [tilespmem:s16+$0x21B0];
	v0 =	vadd.f32 v8, v0  }
0x1d3: {  	v8 =	vadd.f32 v10, v9;
	v9 =	vld [tilespmem:s16+$0x41F0]  }
0x1d4: {  	v10 =	vld [tilespmem:s16+$0x1DC0];
	v0 =	vadd.f32 v5, v0  }
0x1d5: {  	v5 =	vld [tilespmem:s16+$0x45F0]  }
0x1d6: {  	v12 =	vld [tilespmem:s16+$0x21C0];
	v0 =	vadd.f32 v7, v0  }
0x1d7: {  	v6 =	vadd.f32 v11, v6;
	v7 =	vld [tilespmem:s16+$0x49F0]  }
0x1d8: {  	v11 =	vld [tilespmem:s16+$0x1DD0];
	v0 =	vadd.f32 v9, v0  }
0x1d9: {  	v9 =	vld [tilespmem:s16+$0x4DF0]  }
0x1da: {  	v13 =	vld [tilespmem:s16+$0x21D0];
	v0 =	vadd.f32 v5, v0  }
0x1db: {  	v5 =	vadd.f32 v12, v10;
	v10 =	vld [tilespmem:s16+$0x51F0]  }
0x1dc: {  	v12 =	vld [tilespmem:s16+$0x1DE0];
	v0 =	vadd.f32 v7, v0  }
0x1dd: {  	v7 =	vld [tilespmem:s16+$0x55F0]  }
0x1de: {  	v14 =	vld [tilespmem:s16+$0x21E0];
	v0 =	vadd.f32 v9, v0  }
0x1df: {  	v9 =	vadd.f32 v13, v11;
	v11 =	vld [tilespmem:s16+$0x59F0]  }
0x1e0: {  	v13 =	vld [tilespmem:s16+$0x2580];
	v0 =	vadd.f32 v10, v0  }
0x1e1: {  	v10 =	vld [tilespmem:s16+$0x2590]  }
0x1e2: {  	v15 =	vld [tilespmem:s16+$0x25A0];
	v0 =	vadd.f32 v7, v0  }
0x1e3: {  	v7 =	vld [tilespmem:s16+$0x25B0];
	v12 =	vadd.f32 v14, v12  }
0x1e4: {  	v14 =	vld [tilespmem:s16+$0x25C0];
	v0 =	vadd.f32 v11, v0  }
0x1e5: {  	v4 =	vadd.f32 v13, v4;
	v11 =	vld [tilespmem:s16+$0x25D0]  }
0x1e6: {  	v1 =	vadd.f32 v10, v1;
	v10 =	vld [tilespmem:s16+$0x25E0];
	v0 =	vadd.f32 v0, v3  }
0x1e7: {  	v13 =	vld [tilespmem:s16+$0x2980];
	v8 =	vadd.f32 v15, v8  }
0x1e8: {  	v15 =	vld [tilespmem:s16+$0x2990];
	v6 =	vadd.f32 v7, v6;
	[tilespmem:s16+$0x5DF0] =	vst v0  }
0x1e9: {  	v0 =	vld [tilespmem:s16+$0x29A0];
	v5 =	vadd.f32 v14, v5  }
0x1ea: {  	v7 =	vld [tilespmem:s16+$0x29B0];
	v9 =	vadd.f32 v11, v9  }
0x1eb: {  	v11 =	vld [tilespmem:s16+$0x29C0];
	v10 =	vadd.f32 v10, v12  }
0x1ec: {  	v4 =	vadd.f32 v13, v4;
	v12 =	vld [tilespmem:s16+$0x29D0]  }
0x1ed: {  	v1 =	vadd.f32 v15, v1;
	v13 =	vld [tilespmem:s16+$0x29E0]  }
0x1ee: {  	v14 =	vld [tilespmem:s16+$0x2D80];
	v0 =	vadd.f32 v0, v8  }
0x1ef: {  	v8 =	vld [tilespmem:s16+$0x2D90];
	v6 =	vadd.f32 v7, v6  }
0x1f0: {  	v7 =	vld [tilespmem:s16+$0x2DA0];
	v5 =	vadd.f32 v11, v5  }
0x1f1: {  	v11 =	vld [tilespmem:s16+$0x2DB0];
	v9 =	vadd.f32 v12, v9  }
0x1f2: {  	v12 =	vld [tilespmem:s16+$0x2DC0];
	v10 =	vadd.f32 v13, v10  }
0x1f3: {  	v4 =	vadd.f32 v14, v4;
	v13 =	vld [tilespmem:s16+$0x2DD0]  }
0x1f4: {  	v1 =	vadd.f32 v8, v1;
	v8 =	vld [tilespmem:s16+$0x2DE0]  }
0x1f5: {  	v14 =	vld [tilespmem:s16+$0x3180];
	v0 =	vadd.f32 v7, v0  }
0x1f6: {  	v7 =	vld [tilespmem:s16+$0x3190];
	v6 =	vadd.f32 v11, v6  }
0x1f7: {  	v11 =	vld [tilespmem:s16+$0x31A0];
	v5 =	vadd.f32 v12, v5  }
0x1f8: {  	v12 =	vld [tilespmem:s16+$0x31B0];
	v9 =	vadd.f32 v13, v9  }
0x1f9: {  	v13 =	vld [tilespmem:s16+$0x31C0];
	v8 =	vadd.f32 v8, v10  }
0x1fa: {  	v4 =	vadd.f32 v14, v4;
	v10 =	vld [tilespmem:s16+$0x31D0]  }
0x1fb: {  	v1 =	vadd.f32 v7, v1;
	v7 =	vld [tilespmem:s16+$0x31E0]  }
0x1fc: {  	v14 =	vld [tilespmem:s16+$0x3580];
	v0 =	vadd.f32 v11, v0  }
0x1fd: {  	v11 =	vld [tilespmem:s16+$0x3590];
	v6 =	vadd.f32 v12, v6  }
0x1fe: {  	v12 =	vld [tilespmem:s16+$0x35A0];
	v5 =	vadd.f32 v13, v5  }
0x1ff: {  	v13 =	vld [tilespmem:s16+$0x35B0];
	v9 =	vadd.f32 v10, v9  }
0x200: {  	v10 =	vld [tilespmem:s16+$0x35C0];
	v7 =	vadd.f32 v7, v8  }
0x201: {  	v4 =	vadd.f32 v14, v4;
	v8 =	vld [tilespmem:s16+$0x35D0]  }
0x202: {  	v1 =	vadd.f32 v11, v1;
	v11 =	vld [tilespmem:s16+$0x35E0]  }
0x203: {  	v14 =	vld [tilespmem:s16+$0x3980];
	v0 =	vadd.f32 v12, v0  }
0x204: {  	v12 =	vld [tilespmem:s16+$0x3990];
	v6 =	vadd.f32 v13, v6  }
0x205: {  	v13 =	vld [tilespmem:s16+$0x39A0];
	v5 =	vadd.f32 v10, v5  }
0x206: {  	v10 =	vld [tilespmem:s16+$0x39B0];
	v8 =	vadd.f32 v8, v9  }
0x207: {  	v9 =	vld [tilespmem:s16+$0x39C0];
	v7 =	vadd.f32 v11, v7  }
0x208: {  	v4 =	vadd.f32 v14, v4;
	v11 =	vld [tilespmem:s16+$0x39D0]  }
0x209: {  	v1 =	vadd.f32 v12, v1;
	v12 =	vld [tilespmem:s16+$0x39E0]  }
0x20a: {  	v14 =	vld [tilespmem:s16+$0x3D80];
	v0 =	vadd.f32 v13, v0  }
0x20b: {  	v13 =	vld [tilespmem:s16+$0x3D90];
	v6 =	vadd.f32 v10, v6  }
0x20c: {  	v10 =	vld [tilespmem:s16+$0x3DA0];
	v5 =	vadd.f32 v9, v5  }
0x20d: {  	v9 =	vld [tilespmem:s16+$0x3DB0];
	v8 =	vadd.f32 v11, v8  }
0x20e: {  	v11 =	vld [tilespmem:s16+$0x3DC0];
	v7 =	vadd.f32 v12, v7  }
0x20f: {  	v4 =	vadd.f32 v14, v4;
	v12 =	vld [tilespmem:s16+$0x3DD0]  }
0x210: {  	v1 =	vadd.f32 v13, v1;
	v13 =	vld [tilespmem:s16+$0x3DE0]  }
0x211: {  	v14 =	vld [tilespmem:s16+$0x4180];
	v0 =	vadd.f32 v10, v0  }
0x212: {  	v10 =	vld [tilespmem:s16+$0x4190];
	v6 =	vadd.f32 v9, v6  }
0x213: {  	v9 =	vld [tilespmem:s16+$0x41A0];
	v5 =	vadd.f32 v11, v5  }
0x214: {  	v11 =	vld [tilespmem:s16+$0x41B0];
	v8 =	vadd.f32 v12, v8  }
0x215: {  	v12 =	vld [tilespmem:s16+$0x41C0];
	v7 =	vadd.f32 v13, v7  }
0x216: {  	v4 =	vadd.f32 v14, v4;
	v13 =	vld [tilespmem:s16+$0x41D0]  }
0x217: {  	v1 =	vadd.f32 v10, v1;
	v10 =	vld [tilespmem:s16+$0x41E0]  }
0x218: {  	v14 =	vld [tilespmem:s16+$0x4580];
	v0 =	vadd.f32 v9, v0  }
0x219: {  	v9 =	vld [tilespmem:s16+$0x4590];
	v6 =	vadd.f32 v11, v6  }
0x21a: {  	v11 =	vld [tilespmem:s16+$0x45A0];
	v5 =	vadd.f32 v12, v5  }
0x21b: {  	v12 =	vld [tilespmem:s16+$0x45B0];
	v8 =	vadd.f32 v13, v8  }
0x21c: {  	v13 =	vld [tilespmem:s16+$0x45C0];
	v7 =	vadd.f32 v10, v7  }
0x21d: {  	v4 =	vadd.f32 v14, v4;
	v10 =	vld [tilespmem:s16+$0x45D0]  }
0x21e: {  	v1 =	vadd.f32 v9, v1;
	v9 =	vld [tilespmem:s16+$0x45E0]  }
0x21f: {  	v14 =	vld [tilespmem:s16+$0x4980];
	v0 =	vadd.f32 v11, v0  }
0x220: {  	v11 =	vld [tilespmem:s16+$0x4990];
	v6 =	vadd.f32 v12, v6  }
0x221: {  	v12 =	vld [tilespmem:s16+$0x49A0];
	v5 =	vadd.f32 v13, v5  }
0x222: {  	v13 =	vld [tilespmem:s16+$0x49B0];
	v8 =	vadd.f32 v10, v8  }
0x223: {  	v10 =	vld [tilespmem:s16+$0x49C0];
	v7 =	vadd.f32 v9, v7  }
0x224: {  	v4 =	vadd.f32 v14, v4;
	v9 =	vld [tilespmem:s16+$0x49D0]  }
0x225: {  	v1 =	vadd.f32 v11, v1;
	v11 =	vld [tilespmem:s16+$0x49E0]  }
0x226: {  	v14 =	vld [tilespmem:s16+$0x4D80];
	v0 =	vadd.f32 v12, v0  }
0x227: {  	v12 =	vld [tilespmem:s16+$0x4D90];
	v6 =	vadd.f32 v13, v6  }
0x228: {  	v13 =	vld [tilespmem:s16+$0x4DA0];
	v5 =	vadd.f32 v10, v5  }
0x229: {  	v10 =	vld [tilespmem:s16+$0x4DB0];
	v8 =	vadd.f32 v9, v8  }
0x22a: {  	v9 =	vld [tilespmem:s16+$0x4DC0];
	v7 =	vadd.f32 v11, v7  }
0x22b: {  	v4 =	vadd.f32 v14, v4;
	v11 =	vld [tilespmem:s16+$0x4DD0]  }
0x22c: {  	v1 =	vadd.f32 v12, v1;
	v12 =	vld [tilespmem:s16+$0x4DE0]  }
0x22d: {  	v14 =	vld [tilespmem:s16+$0x5180];
	v0 =	vadd.f32 v13, v0  }
0x22e: {  	v13 =	vld [tilespmem:s16+$0x5190];
	v6 =	vadd.f32 v10, v6  }
0x22f: {  	v10 =	vld [tilespmem:s16+$0x51A0];
	v5 =	vadd.f32 v9, v5  }
0x230: {  	v9 =	vld [tilespmem:s16+$0x51B0];
	v8 =	vadd.f32 v11, v8  }
0x231: {  	v11 =	vld [tilespmem:s16+$0x51C0];
	v7 =	vadd.f32 v12, v7  }
0x232: {  	v4 =	vadd.f32 v14, v4;
	v12 =	vld [tilespmem:s16+$0x51D0]  }
0x233: {  	v1 =	vadd.f32 v13, v1;
	v13 =	vld [tilespmem:s16+$0x51E0]  }
0x234: {  	v14 =	vld [tilespmem:s16+$0x5580];
	v0 =	vadd.f32 v10, v0  }
0x235: {  	v10 =	vld [tilespmem:s16+$0x5590];
	v6 =	vadd.f32 v9, v6  }
0x236: {  	v9 =	vld [tilespmem:s16+$0x55A0];
	v5 =	vadd.f32 v11, v5  }
0x237: {  	v11 =	vld [tilespmem:s16+$0x55B0];
	v8 =	vadd.f32 v12, v8  }
0x238: {  	v12 =	vld [tilespmem:s16+$0x55C0];
	v13 =	vadd.f32 v13, v7  }
0x239: {  	v14 =	vadd.f32 v14, v4;
	v4 =	vld [tilespmem:s16+$0x55D0]  }
0x23a: {  	v1 =	vadd.f32 v10, v1;
	v15 =	vld [tilespmem:s16+$0x55E0]  }
0x23b: {  	v16 =	vld [tilespmem:s16+$0x5980];
	v0 =	vadd.f32 v9, v0  }
0x23c: {  	v17 =	vld [tilespmem:s16+$0x5990];
	v10 =	vadd.f32 v11, v6  }
0x23d: {  	v18 =	vld [tilespmem:s16+$0x59A0];
	v7 =	vadd.f32 v12, v5  }
.Ltmp4:
0x23e: {  	v12 =	vld [tilespmem:s16+$0x59B0];
	v6 =	vadd.f32 v4, v8;
	(pc) =	sbr.rel @p1 .LBB2_5-.Ltmp4, $4  }
0x23f: {  	v11 =	vld [tilespmem:s16+$0x59C0];
	v4 =	vadd.f32 v15, v13  }
0x240: {  	v14 =	vadd.f32 v16, v14;
	v9 =	vld [tilespmem:s16+$0x59D0]  }
0x241: {  	s18 =	sshra.s32 s17, $0x2;
	v13 =	vadd.f32 v17, v1;
	v8 =	vld [tilespmem:s16+$0x59E0]  }
0x242: {  	s17 =	sadd.s32 $0x200, s17;
	v5 =	vld [tilespmem:s18+$0x1DF0];
	v15 =	vadd.f32 v14, v3;
	v14 =	vadd.f32 v18, v0  }
.Ltmp5:
0x243: {  	_ = 	snop;
	(pc) =	sbr.rel .LBB2_6-.Ltmp5, $1  }
0x244: {  	_ =	sdelay $0x3  }
.LBB2_8:
0x245: {  	_ =	sfence.sel $0x180000  }
0x246: {  	[bflag:$0x0] =	sbarrier.arrive $0xFFFF  }
0x247: {  	_ =	strace $0x90000047  }
0x248: {  	s0 =	sadd.s32 @!p0 $0x100000, s0;
	[bflag:$0x2] =	sbarrier.arrive $0xFFFF  }
0x249: {  	[sflag:s0] =	ssyncadd.tile.s32 @!p0 $0x1;
	_ =	shalt  }
.Lfunc_end2:
_tile_overlayer_lowered:
.L_overlay_start_2:
0x24a: {  	(tag) =	ssettag $0x2  }
0x24b: {  	s0 =	rddreg [dreg:$0x0];
	s2 =	stileid.u32  }
0x24c: {  	s1 =	rddreg [dreg:$0x1];
	p0 =	sne.s32 s2, $0x0  }
0x24d: {  	s3 =	rddreg [dreg:$0x2];
	[bflag:$0x3] =	sbarrier.arrive $0xFFFF;
	s2 =	simm.s32 @!p0 $0x1C01  }
0x24e: {  	[timem:s3], [sflag:s2] =	dma.local @!p0 [hbm:s0], s1  }
0x24f: {  	s0 =	simm.s32 @!p0 $0x1  }
0x250: {  	_ =	swait.ge @!p0 [sflag:s0], s1  }
0x251: {  	s1 =	ssub.s32 @!p0 $0x0, s1;
	[sflag:s0] =	ssyncset.done @!p0 $0x0  }
0x252: {  	[sflag:s0] =	ssyncadd.s32 @!p0 s1  }
0x253: {  	[bflag:$0x3] =	sbarrier.arrive $0xFFFF  }
0x254: {  	_ =	shalt  }

</sc_bundles>
